<compile_context>
chip_gen: v7x
topology: tpu7x:2x2x1
jax: 0.10.2.dev20260603
libtpu: 0.0.44.dev20260713+nightly
codegen_flags: <defaults>
</compile_context>

<pallas_src>
import functools

import jax
import jax.numpy as jnp
from jax import lax
from jax.experimental import pallas as pl
from jax.experimental.pallas import tpu as pltpu
from jax.experimental.pallas import tpu_sc as plsc

DIM = 128
NC = 2
NS = 16
NW = NC * NS
CHUNK = 128
NBUF = 3
DEPTH = 2


def _schedule(rows_per_w):
    head = tail = CHUNK // 2
    mid = (rows_per_w - head - tail) // CHUNK
    sizes = [head] + [CHUNK] * mid + [tail]
    offs, o = [], 0
    for s in sizes:
        offs.append(o)
        o += s
    assert o == rows_per_w
    return list(zip(offs, sizes))


def _sc_gather_body(pos_hbm, cos_hbm, sin_hbm, cos_out, sin_out,
                    idx_v, cbufs, sbufs, isem, isem2, gsems, osems,
                    rows_per_w, w_per_row):
    wid = lax.axis_index("s") * NC + lax.axis_index("c")
    sched = _schedule(rows_per_w)
    n_chunks = len(sched)
    head = sched[0][1]
    b = wid // w_per_row
    off = (wid % w_per_row) * rows_per_w
    stage = CHUNK
    cp_head = pltpu.async_copy(pos_hbm.at[b, pl.ds(off, stage)],
                               idx_v.at[pl.ds(0, stage)], isem)
    cp_tail = pltpu.async_copy(
        pos_hbm.at[b, pl.ds(off + stage, rows_per_w - stage)],
        idx_v.at[pl.ds(stage, rows_per_w - stage)], isem2)
    cp_head.wait()

    gathers = {}
    outs = {}
    for j in range(n_chunks + DEPTH):
        if j < n_chunks:
            bu = j % NBUF
            if j >= NBUF:
                outs[j - NBUF][0].wait()
                outs[j - NBUF][1].wait()
            if j == 1:
                cp_tail.wait()
            coff, csz = sched[j]
            idx_c = idx_v.at[pl.ds(coff, csz)]
            gathers[j] = (
                pltpu.async_copy(cos_hbm.at[idx_c],
                                 cbufs[bu].at[pl.ds(0, csz)], gsems[2 * bu]),
                pltpu.async_copy(sin_hbm.at[idx_c],
                                 sbufs[bu].at[pl.ds(0, csz)], gsems[2 * bu + 1]),
            )
        if j >= DEPTH:
            jj = j - DEPTH
            bu = jj % NBUF
            gathers[jj][0].wait()
            gathers[jj][1].wait()
            coff, csz = sched[jj]
            row0 = wid * rows_per_w + coff
            outs[jj] = (
                pltpu.async_copy(cbufs[bu].at[pl.ds(0, csz)],
                                 cos_out.at[pl.ds(row0, csz)], osems[2 * bu]),
                pltpu.async_copy(sbufs[bu].at[pl.ds(0, csz)],
                                 sin_out.at[pl.ds(row0, csz)], osems[2 * bu + 1]),
            )
    for jj in range(max(n_chunks - NBUF, 0), n_chunks):
        outs[jj][0].wait()
        outs[jj][1].wait()


@jax.jit
def _rope_gather(positions, cos_cached, sin_cached):
    batch, seq = positions.shape
    total = batch * seq
    rows_per_w = total // NW
    w_per_row = seq // rows_per_w
    mesh = plsc.VectorSubcoreMesh(core_axis_name="c", subcore_axis_name="s")
    scratch = (
        pltpu.VMEM((rows_per_w,), jnp.int32),
        [pltpu.VMEM((CHUNK, DIM), jnp.float32) for _ in range(NBUF)],
        [pltpu.VMEM((CHUNK, DIM), jnp.float32) for _ in range(NBUF)],
        pltpu.SemaphoreType.DMA,
        pltpu.SemaphoreType.DMA,
        [pltpu.SemaphoreType.DMA for _ in range(2 * NBUF)],
        [pltpu.SemaphoreType.DMA for _ in range(2 * NBUF)],
    )
    out_type = (
        jax.ShapeDtypeStruct((total, DIM), jnp.float32),
        jax.ShapeDtypeStruct((total, DIM), jnp.float32),
    )
    body = functools.partial(_sc_gather_body, rows_per_w=rows_per_w,
                             w_per_row=w_per_row)
    return pl.kernel(
        body,
        out_type=out_type,
        mesh=mesh,
        scratch_types=scratch,
    )(positions, cos_cached, sin_cached)


def kernel(positions, cos_cached, sin_cached):
    batch, seq = positions.shape
    cos_flat, sin_flat = _rope_gather(positions, cos_cached, sin_cached)
    return (cos_flat.reshape(batch, seq, DIM), sin_flat.reshape(batch, seq, DIM))

# --- scband reference (transcript-rebuilt; emitter-appended) ---
"""Pipeline reference for scband-llama-rotary-embedding-3702261809774 (READ-ONLY COPY).

The authoritative reference and input builder live on the scoring server;
editing this copy changes nothing except your own understanding.
"""

import jax, jax.numpy as jnp
import numpy as np

DIM = 128
MAX_POS = 8192
BASE = 10000.0
BATCH = 4
SEQ = 8192


def _build_caches():
    inv_freq = 1.0 / (BASE ** (jnp.arange(0, DIM, 2).astype(jnp.float32) / DIM))
    t = jnp.arange(MAX_POS, dtype=jnp.float32)
    freqs = jnp.einsum('i,j->ij', t, inv_freq)
    emb = jnp.concatenate([freqs, freqs], axis=-1)
    cos_cached = jnp.cos(emb).astype(jnp.float32)
    sin_cached = jnp.sin(emb).astype(jnp.float32)
    return cos_cached, sin_cached


def setup_inputs(seed: int = 0) -> dict:
    key = jax.random.key(seed)
    positions = jax.random.randint(jax.random.fold_in(key, 0), (BATCH, SEQ), 0, MAX_POS, dtype=jnp.int32)
    cos_cached, sin_cached = _build_caches()
    return {"positions": positions, "cos_cached": cos_cached, "sin_cached": sin_cached}


def reference(positions, cos_cached, sin_cached):
    # F.embedding(positions, table) == table[positions]
    cos = jnp.take(cos_cached, positions, axis=0)
    sin = jnp.take(sin_cached, positions, axis=0)
    return (cos, sin)

if __name__ == "__main__":
    import jax
    _d = setup_inputs()
    print(jax.jit(kernel)(*tuple(_d.values())))

</pallas_src>

<mosaic_0001>
#map = affine_map<(d0, d1) -> (0, 0)>
module attributes {stable_mosaic.version = 14 : i64} {
  func.func @_sc_gather_body(%arg0: i32, %arg1: i32, %arg2: memref<4x8192xi32, #tpu.memory_space<hbm>>, %arg3: memref<8192x128xf32, #tpu.memory_space<hbm>>, %arg4: memref<8192x128xf32, #tpu.memory_space<hbm>>, %arg5: memref<32768x128xf32, #tpu.memory_space<hbm>>, %arg6: memref<32768x128xf32, #tpu.memory_space<hbm>>, %arg7: memref<1024xi32, #tpu.memory_space<vmem>>, %arg8: memref<128x128xf32, #tpu.memory_space<vmem>>, %arg9: memref<128x128xf32, #tpu.memory_space<vmem>>, %arg10: memref<128x128xf32, #tpu.memory_space<vmem>>, %arg11: memref<128x128xf32, #tpu.memory_space<vmem>>, %arg12: memref<128x128xf32, #tpu.memory_space<vmem>>, %arg13: memref<128x128xf32, #tpu.memory_space<vmem>>, %arg14: memref<!tpu.dma_semaphore, #tpu.memory_space<semaphore_mem>>, %arg15: memref<!tpu.dma_semaphore, #tpu.memory_space<semaphore_mem>>, %arg16: memref<!tpu.dma_semaphore, #tpu.memory_space<semaphore_mem>>, %arg17: memref<!tpu.dma_semaphore, #tpu.memory_space<semaphore_mem>>, %arg18: memref<!tpu.dma_semaphore, #tpu.memory_space<semaphore_mem>>, %arg19: memref<!tpu.dma_semaphore, #tpu.memory_space<semaphore_mem>>, %arg20: memref<!tpu.dma_semaphore, #tpu.memory_space<semaphore_mem>>, %arg21: memref<!tpu.dma_semaphore, #tpu.memory_space<semaphore_mem>>, %arg22: memref<!tpu.dma_semaphore, #tpu.memory_space<semaphore_mem>>, %arg23: memref<!tpu.dma_semaphore, #tpu.memory_space<semaphore_mem>>, %arg24: memref<!tpu.dma_semaphore, #tpu.memory_space<semaphore_mem>>, %arg25: memref<!tpu.dma_semaphore, #tpu.memory_space<semaphore_mem>>, %arg26: memref<!tpu.dma_semaphore, #tpu.memory_space<semaphore_mem>>, %arg27: memref<!tpu.dma_semaphore, #tpu.memory_space<semaphore_mem>>) attributes {dimension_semantics = [#tpu.dimension_semantics<core_parallel>, #tpu.dimension_semantics<subcore_parallel>], iteration_bounds = array<i64: 2, 16>, scalar_prefetch = 0 : i64, scratch_operands = 21 : i64, tpu.core_type = #tpu.core_type<sc_vector_subcore>, window_params = [{transform_indices = #map}, {transform_indices = #map}, {transform_indices = #map}, {transform_indices = #map}, {transform_indices = #map}]} {
    %mul3A = arith.constant 2 : i32
    %mul3A_0 = arith.muli %arg1, %mul3A : i32
    %add3A = arith.addi %mul3A_0, %arg0 : i32
    %jit3A = arith.constant 8 : i32
    %div3A = arith.divsi %add3A, %jit3A : i32
    %sign3A = arith.constant 0 : i32
    %sign3A_1 = arith.cmpi sgt, %add3A, %sign3A : i32
    %sign3A_2 = arith.extui %sign3A_1 : i1 to i32
    %sign3A_3 = arith.constant 0 : i32
    %sign3A_4 = arith.cmpi slt, %add3A, %sign3A_3 : i32
    %sign3A_5 = arith.extui %sign3A_4 : i1 to i32
    %sign3A_6 = arith.subi %sign3A_2, %sign3A_5 : i32
    %sign3A_7 = arith.constant 0 : i32
    %sign3A_8 = arith.cmpi sgt, %jit3A, %sign3A_7 : i32
    %sign3A_9 = arith.extui %sign3A_8 : i1 to i32
    %sign3A_10 = arith.constant 0 : i32
    %sign3A_11 = arith.cmpi slt, %jit3A, %sign3A_10 : i32
    %sign3A_12 = arith.extui %sign3A_11 : i1 to i32
    %sign3A_13 = arith.subi %sign3A_9, %sign3A_12 : i32
    %ne3A = arith.cmpi ne, %sign3A_6, %sign3A_13 : i32
    %rem3A = arith.remsi %add3A, %jit3A : i32
    %ne3A_14 = arith.constant 0 : i32
    %ne3A_15 = arith.cmpi ne, %rem3A, %ne3A_14 : i32
    %and3A = arith.andi %ne3A, %ne3A_15 : i1
    %sub3A = arith.constant 1 : i32
    %sub3A_16 = arith.subi %div3A, %sub3A : i32
    %select_n3A = arith.select %and3A, %sub3A_16, %div3A : i32
    %jit3A_17 = arith.constant 8 : i32
    %eq3A = arith.constant 0 : i32
    %eq3A_18 = arith.cmpi eq, %jit3A_17, %eq3A : i32
    %jit3A_19 = arith.constant 1 : i32
    %select_n3A_20 = arith.select %eq3A_18, %jit3A_19, %jit3A_17 : i32
    %rem3A_21 = arith.remsi %add3A, %select_n3A_20 : i32
    %ne3A_22 = arith.constant 0 : i32
    %ne3A_23 = arith.cmpi ne, %rem3A_21, %ne3A_22 : i32
    %lt3A = arith.constant 0 : i32
    %lt3A_24 = arith.cmpi slt, %rem3A_21, %lt3A : i32
    %lt3A_25 = arith.constant 0 : i32
    %lt3A_26 = arith.cmpi slt, %select_n3A_20, %lt3A_25 : i32
    %ne3A_27 = arith.xori %lt3A_24, %lt3A_26 : i1
    %and3A_28 = arith.andi %ne3A_27, %ne3A_23 : i1
    %add3A_29 = arith.addi %rem3A_21, %select_n3A_20 : i32
    %select_n3A_30 = arith.select %and3A_28, %add3A_29, %rem3A_21 : i32
    %mul3A_31 = arith.constant 1024 : i32
    %mul3A_32 = arith.muli %select_n3A_30, %mul3A_31 : i32
    %dma_start3A = arith.constant 0 : i32
    %dma_start3A_33 = tpu.memref_slice %arg7[%dma_start3A] : memref<1024xi32, #tpu.memory_space<vmem>> -> memref<128xi32, #tpu.memory_space<vmem>>
    %dma_start3A_34 = tpu.memref_slice %arg2[%select_n3A, %mul3A_32] : memref<4x8192xi32, #tpu.memory_space<hbm>> -> memref<1x128xi32, #tpu.memory_space<hbm>>
    %dma_start3A_35 = tpu.memref_squeeze %dma_start3A_34 : memref<1x128xi32, #tpu.memory_space<hbm>> -> memref<128xi32, #tpu.memory_space<hbm>>
    %dma_start3A_36 = arith.constant 0 : i32
    %dma_start3A_37 = tpu.memref_slice %arg7[%dma_start3A_36] : memref<1024xi32, #tpu.memory_space<vmem>> -> memref<128xi32, #tpu.memory_space<vmem>>
    %dma_start3A_38 = tpu.memref_slice %arg2[%select_n3A, %mul3A_32] : memref<4x8192xi32, #tpu.memory_space<hbm>> -> memref<1x128xi32, #tpu.memory_space<hbm>>
    %dma_start3A_39 = tpu.memref_squeeze %dma_start3A_38 : memref<1x128xi32, #tpu.memory_space<hbm>> -> memref<128xi32, #tpu.memory_space<hbm>>
    tpu.enqueue_dma source(%dma_start3A_39 : memref<128xi32, #tpu.memory_space<hbm>>) target(%dma_start3A_37 : memref<128xi32, #tpu.memory_space<vmem>>) target_semaphore(%arg14 : memref<!tpu.dma_semaphore, #tpu.memory_space<semaphore_mem>>)
    %add3A_40 = arith.constant 128 : i32
    %add3A_41 = arith.addi %mul3A_32, %add3A_40 : i32
    %dma_start3A_42 = arith.constant 128 : i32
    %dma_start3A_43 = tpu.memref_slice %arg7[%dma_start3A_42] : memref<1024xi32, #tpu.memory_space<vmem>> -> memref<896xi32, #tpu.memory_space<vmem>>
    %dma_start3A_44 = tpu.memref_slice %arg2[%select_n3A, %add3A_41] : memref<4x8192xi32, #tpu.memory_space<hbm>> -> memref<1x896xi32, #tpu.memory_space<hbm>>
    %dma_start3A_45 = tpu.memref_squeeze %dma_start3A_44 : memref<1x896xi32, #tpu.memory_space<hbm>> -> memref<896xi32, #tpu.memory_space<hbm>>
    %dma_start3A_46 = arith.constant 128 : i32
    %dma_start3A_47 = tpu.memref_slice %arg7[%dma_start3A_46] : memref<1024xi32, #tpu.memory_space<vmem>> -> memref<896xi32, #tpu.memory_space<vmem>>
    %dma_start3A_48 = tpu.memref_slice %arg2[%select_n3A, %add3A_41] : memref<4x8192xi32, #tpu.memory_space<hbm>> -> memref<1x896xi32, #tpu.memory_space<hbm>>
    %dma_start3A_49 = tpu.memref_squeeze %dma_start3A_48 : memref<1x896xi32, #tpu.memory_space<hbm>> -> memref<896xi32, #tpu.memory_space<hbm>>
    tpu.enqueue_dma source(%dma_start3A_49 : memref<896xi32, #tpu.memory_space<hbm>>) target(%dma_start3A_47 : memref<896xi32, #tpu.memory_space<vmem>>) target_semaphore(%arg15 : memref<!tpu.dma_semaphore, #tpu.memory_space<semaphore_mem>>)
    %dma_wait3A = arith.constant 0 : i32
    %dma_wait3A_50 = tpu.memref_slice %arg7[%dma_wait3A] : memref<1024xi32, #tpu.memory_space<vmem>> -> memref<128xi32, #tpu.memory_space<vmem>>
    %dma_wait3A_51 = tpu.memref_slice %arg2[%select_n3A, %mul3A_32] : memref<4x8192xi32, #tpu.memory_space<hbm>> -> memref<1x128xi32, #tpu.memory_space<hbm>>
    %dma_wait3A_52 = tpu.memref_squeeze %dma_wait3A_51 : memref<1x128xi32, #tpu.memory_space<hbm>> -> memref<128xi32, #tpu.memory_space<hbm>>
    %dma_wait3A_53 = arith.constant 0 : i32
    %dma_wait3A_54 = tpu.memref_slice %arg7[%dma_wait3A_53] : memref<1024xi32, #tpu.memory_space<vmem>> -> memref<128xi32, #tpu.memory_space<vmem>>
    %dma_wait3A_55 = tpu.memref_slice %arg2[%select_n3A, %mul3A_32] : memref<4x8192xi32, #tpu.memory_space<hbm>> -> memref<1x128xi32, #tpu.memory_space<hbm>>
    %dma_wait3A_56 = tpu.memref_squeeze %dma_wait3A_55 : memref<1x128xi32, #tpu.memory_space<hbm>> -> memref<128xi32, #tpu.memory_space<hbm>>
    tpu.wait_dma2 semaphore(%arg14 : memref<!tpu.dma_semaphore, #tpu.memory_space<semaphore_mem>>) src(%dma_wait3A_56 : memref<128xi32, #tpu.memory_space<hbm>>) dst(%dma_wait3A_54 : memref<128xi32, #tpu.memory_space<vmem>>)
    %dma_start3A_57 = arith.constant 0 : i32
    %dma_start3A_58 = arith.constant 0 : i32
    %dma_start3A_59 = tpu.memref_slice %arg8[%dma_start3A_57, %dma_start3A_58] : memref<128x128xf32, #tpu.memory_space<vmem>> -> memref<64x128xf32, #tpu.memory_space<vmem>>
    %dma_start3A_60 = arith.constant 0 : i32
    %dma_start3A_61 = tpu.memref_slice %arg7[%dma_start3A_60] : memref<1024xi32, #tpu.memory_space<vmem>> -> memref<64xi32, #tpu.memory_space<vmem>>
    %dma_start3A_62 = arith.constant 0 : i32
    %dma_start3A_63 = arith.constant 0 : i32
    %dma_start3A_64 = tpu.memref_slice %arg3[%dma_start3A_62, %dma_start3A_63] : memref<8192x128xf32, #tpu.memory_space<hbm>> -> memref<8192x128xf32, #tpu.memory_space<hbm>>
    tpu.enqueue_indirect_dma source(%dma_start3A_64 : memref<8192x128xf32, #tpu.memory_space<hbm>>) target(%dma_start3A_59 : memref<64x128xf32, #tpu.memory_space<vmem>>) offsets(%dma_start3A_61 : memref<64xi32, #tpu.memory_space<vmem>>) semaphore(%arg16 : memref<!tpu.dma_semaphore, #tpu.memory_space<semaphore_mem>>)
    %dma_start3A_65 = arith.constant 0 : i32
    %dma_start3A_66 = arith.constant 0 : i32
    %dma_start3A_67 = tpu.memref_slice %arg11[%dma_start3A_65, %dma_start3A_66] : memref<128x128xf32, #tpu.memory_space<vmem>> -> memref<64x128xf32, #tpu.memory_space<vmem>>
    %dma_start3A_68 = arith.constant 0 : i32
    %dma_start3A_69 = tpu.memref_slice %arg7[%dma_start3A_68] : memref<1024xi32, #tpu.memory_space<vmem>> -> memref<64xi32, #tpu.memory_space<vmem>>
    %dma_start3A_70 = arith.constant 0 : i32
    %dma_start3A_71 = arith.constant 0 : i32
    %dma_start3A_72 = tpu.memref_slice %arg4[%dma_start3A_70, %dma_start3A_71] : memref<8192x128xf32, #tpu.memory_space<hbm>> -> memref<8192x128xf32, #tpu.memory_space<hbm>>
    tpu.enqueue_indirect_dma source(%dma_start3A_72 : memref<8192x128xf32, #tpu.memory_space<hbm>>) target(%dma_start3A_67 : memref<64x128xf32, #tpu.memory_space<vmem>>) offsets(%dma_start3A_69 : memref<64xi32, #tpu.memory_space<vmem>>) semaphore(%arg17 : memref<!tpu.dma_semaphore, #tpu.memory_space<semaphore_mem>>)
    %dma_wait3A_73 = arith.constant 128 : i32
    %dma_wait3A_74 = tpu.memref_slice %arg7[%dma_wait3A_73] : memref<1024xi32, #tpu.memory_space<vmem>> -> memref<896xi32, #tpu.memory_space<vmem>>
    %dma_wait3A_75 = tpu.memref_slice %arg2[%select_n3A, %add3A_41] : memref<4x8192xi32, #tpu.memory_space<hbm>> -> memref<1x896xi32, #tpu.memory_space<hbm>>
    %dma_wait3A_76 = tpu.memref_squeeze %dma_wait3A_75 : memref<1x896xi32, #tpu.memory_space<hbm>> -> memref<896xi32, #tpu.memory_space<hbm>>
    %dma_wait3A_77 = arith.constant 128 : i32
    %dma_wait3A_78 = tpu.memref_slice %arg7[%dma_wait3A_77] : memref<1024xi32, #tpu.memory_space<vmem>> -> memref<896xi32, #tpu.memory_space<vmem>>
    %dma_wait3A_79 = tpu.memref_slice %arg2[%select_n3A, %add3A_41] : memref<4x8192xi32, #tpu.memory_space<hbm>> -> memref<1x896xi32, #tpu.memory_space<hbm>>
    %dma_wait3A_80 = tpu.memref_squeeze %dma_wait3A_79 : memref<1x896xi32, #tpu.memory_space<hbm>> -> memref<896xi32, #tpu.memory_space<hbm>>
    tpu.wait_dma2 semaphore(%arg15 : memref<!tpu.dma_semaphore, #tpu.memory_space<semaphore_mem>>) src(%dma_wait3A_80 : memref<896xi32, #tpu.memory_space<hbm>>) dst(%dma_wait3A_78 : memref<896xi32, #tpu.memory_space<vmem>>)
    %dma_start3A_81 = arith.constant 0 : i32
    %dma_start3A_82 = arith.constant 0 : i32
    %dma_start3A_83 = tpu.memref_slice %arg9[%dma_start3A_81, %dma_start3A_82] : memref<128x128xf32, #tpu.memory_space<vmem>> -> memref<128x128xf32, #tpu.memory_space<vmem>>
    %dma_start3A_84 = arith.constant 64 : i32
    %dma_start3A_85 = tpu.memref_slice %arg7[%dma_start3A_84] : memref<1024xi32, #tpu.memory_space<vmem>> -> memref<128xi32, #tpu.memory_space<vmem>>
    %dma_start3A_86 = arith.constant 0 : i32
    %dma_start3A_87 = arith.constant 0 : i32
    %dma_start3A_88 = tpu.memref_slice %arg3[%dma_start3A_86, %dma_start3A_87] : memref<8192x128xf32, #tpu.memory_space<hbm>> -> memref<8192x128xf32, #tpu.memory_space<hbm>>
    tpu.enqueue_indirect_dma source(%dma_start3A_88 : memref<8192x128xf32, #tpu.memory_space<hbm>>) target(%dma_start3A_83 : memref<128x128xf32, #tpu.memory_space<vmem>>) offsets(%dma_start3A_85 : memref<128xi32, #tpu.memory_space<vmem>>) semaphore(%arg18 : memref<!tpu.dma_semaphore, #tpu.memory_space<semaphore_mem>>)
    %dma_start3A_89 = arith.constant 0 : i32
    %dma_start3A_90 = arith.constant 0 : i32
    %dma_start3A_91 = tpu.memref_slice %arg12[%dma_start3A_89, %dma_start3A_90] : memref<128x128xf32, #tpu.memory_space<vmem>> -> memref<128x128xf32, #tpu.memory_space<vmem>>
    %dma_start3A_92 = arith.constant 64 : i32
    %dma_start3A_93 = tpu.memref_slice %arg7[%dma_start3A_92] : memref<1024xi32, #tpu.memory_space<vmem>> -> memref<128xi32, #tpu.memory_space<vmem>>
    %dma_start3A_94 = arith.constant 0 : i32
    %dma_start3A_95 = arith.constant 0 : i32
    %dma_start3A_96 = tpu.memref_slice %arg4[%dma_start3A_94, %dma_start3A_95] : memref<8192x128xf32, #tpu.memory_space<hbm>> -> memref<8192x128xf32, #tpu.memory_space<hbm>>
    tpu.enqueue_indirect_dma source(%dma_start3A_96 : memref<8192x128xf32, #tpu.memory_space<hbm>>) target(%dma_start3A_91 : memref<128x128xf32, #tpu.memory_space<vmem>>) offsets(%dma_start3A_93 : memref<128xi32, #tpu.memory_space<vmem>>) semaphore(%arg19 : memref<!tpu.dma_semaphore, #tpu.memory_space<semaphore_mem>>)
    %dma_start3A_97 = arith.constant 0 : i32
    %dma_start3A_98 = arith.constant 0 : i32
    %dma_start3A_99 = tpu.memref_slice %arg10[%dma_start3A_97, %dma_start3A_98] : memref<128x128xf32, #tpu.memory_space<vmem>> -> memref<128x128xf32, #tpu.memory_space<vmem>>
    %dma_start3A_100 = arith.constant 192 : i32
    %dma_start3A_101 = tpu.memref_slice %arg7[%dma_start3A_100] : memref<1024xi32, #tpu.memory_space<vmem>> -> memref<128xi32, #tpu.memory_space<vmem>>
    %dma_start3A_102 = arith.constant 0 : i32
    %dma_start3A_103 = arith.constant 0 : i32
    %dma_start3A_104 = tpu.memref_slice %arg3[%dma_start3A_102, %dma_start3A_103] : memref<8192x128xf32, #tpu.memory_space<hbm>> -> memref<8192x128xf32, #tpu.memory_space<hbm>>
    tpu.enqueue_indirect_dma source(%dma_start3A_104 : memref<8192x128xf32, #tpu.memory_space<hbm>>) target(%dma_start3A_99 : memref<128x128xf32, #tpu.memory_space<vmem>>) offsets(%dma_start3A_101 : memref<128xi32, #tpu.memory_space<vmem>>) semaphore(%arg20 : memref<!tpu.dma_semaphore, #tpu.memory_space<semaphore_mem>>)
    %dma_start3A_105 = arith.constant 0 : i32
    %dma_start3A_106 = arith.constant 0 : i32
    %dma_start3A_107 = tpu.memref_slice %arg13[%dma_start3A_105, %dma_start3A_106] : memref<128x128xf32, #tpu.memory_space<vmem>> -> memref<128x128xf32, #tpu.memory_space<vmem>>
    %dma_start3A_108 = arith.constant 192 : i32
    %dma_start3A_109 = tpu.memref_slice %arg7[%dma_start3A_108] : memref<1024xi32, #tpu.memory_space<vmem>> -> memref<128xi32, #tpu.memory_space<vmem>>
    %dma_start3A_110 = arith.constant 0 : i32
    %dma_start3A_111 = arith.constant 0 : i32
    %dma_start3A_112 = tpu.memref_slice %arg4[%dma_start3A_110, %dma_start3A_111] : memref<8192x128xf32, #tpu.memory_space<hbm>> -> memref<8192x128xf32, #tpu.memory_space<hbm>>
    tpu.enqueue_indirect_dma source(%dma_start3A_112 : memref<8192x128xf32, #tpu.memory_space<hbm>>) target(%dma_start3A_107 : memref<128x128xf32, #tpu.memory_space<vmem>>) offsets(%dma_start3A_109 : memref<128xi32, #tpu.memory_space<vmem>>) semaphore(%arg21 : memref<!tpu.dma_semaphore, #tpu.memory_space<semaphore_mem>>)
    %dma_wait3A_113 = arith.constant 0 : i32
    %dma_wait3A_114 = arith.constant 0 : i32
    %dma_wait3A_115 = tpu.memref_slice %arg8[%dma_wait3A_113, %dma_wait3A_114] : memref<128x128xf32, #tpu.memory_space<vmem>> -> memref<64x128xf32, #tpu.memory_space<vmem>>
    %dma_wait3A_116 = arith.constant 0 : i32
    %dma_wait3A_117 = tpu.memref_slice %arg7[%dma_wait3A_116] : memref<1024xi32, #tpu.memory_space<vmem>> -> memref<64xi32, #tpu.memory_space<vmem>>
    %dma_wait3A_118 = arith.constant 0 : i32
    %dma_wait3A_119 = arith.constant 0 : i32
    %dma_wait3A_120 = tpu.memref_slice %arg3[%dma_wait3A_118, %dma_wait3A_119] : memref<8192x128xf32, #tpu.memory_space<hbm>> -> memref<8192x128xf32, #tpu.memory_space<hbm>>
    tpu.wait_indirect_dma semaphore(%arg16 : memref<!tpu.dma_semaphore, #tpu.memory_space<semaphore_mem>>) src(%dma_wait3A_120 : memref<8192x128xf32, #tpu.memory_space<hbm>>) dst(%dma_wait3A_115 : memref<64x128xf32, #tpu.memory_space<vmem>>)
    %dma_wait3A_121 = arith.constant 0 : i32
    %dma_wait3A_122 = arith.constant 0 : i32
    %dma_wait3A_123 = tpu.memref_slice %arg11[%dma_wait3A_121, %dma_wait3A_122] : memref<128x128xf32, #tpu.memory_space<vmem>> -> memref<64x128xf32, #tpu.memory_space<vmem>>
    %dma_wait3A_124 = arith.constant 0 : i32
    %dma_wait3A_125 = tpu.memref_slice %arg7[%dma_wait3A_124] : memref<1024xi32, #tpu.memory_space<vmem>> -> memref<64xi32, #tpu.memory_space<vmem>>
    %dma_wait3A_126 = arith.constant 0 : i32
    %dma_wait3A_127 = arith.constant 0 : i32
    %dma_wait3A_128 = tpu.memref_slice %arg4[%dma_wait3A_126, %dma_wait3A_127] : memref<8192x128xf32, #tpu.memory_space<hbm>> -> memref<8192x128xf32, #tpu.memory_space<hbm>>
    tpu.wait_indirect_dma semaphore(%arg17 : memref<!tpu.dma_semaphore, #tpu.memory_space<semaphore_mem>>) src(%dma_wait3A_128 : memref<8192x128xf32, #tpu.memory_space<hbm>>) dst(%dma_wait3A_123 : memref<64x128xf32, #tpu.memory_space<vmem>>)
    %mul3A_129 = arith.constant 1024 : i32
    %mul3A_130 = arith.muli %add3A, %mul3A_129 : i32
    %add3A_131 = arith.constant 0 : i32
    %add3A_132 = arith.addi %mul3A_130, %add3A_131 : i32
    %dma_start3A_133 = arith.constant 0 : i32
    %dma_start3A_134 = arith.constant 0 : i32
    %dma_start3A_135 = tpu.memref_slice %arg8[%dma_start3A_133, %dma_start3A_134] : memref<128x128xf32, #tpu.memory_space<vmem>> -> memref<64x128xf32, #tpu.memory_space<vmem>>
    %dma_start3A_136 = arith.constant 0 : i32
    %dma_start3A_137 = tpu.memref_slice %arg5[%add3A_132, %dma_start3A_136] : memref<32768x128xf32, #tpu.memory_space<hbm>> -> memref<64x128xf32, #tpu.memory_space<hbm>>
    %dma_start3A_138 = arith.constant 0 : i32
    %dma_start3A_139 = tpu.memref_slice %arg5[%add3A_132, %dma_start3A_138] : memref<32768x128xf32, #tpu.memory_space<hbm>> -> memref<64x128xf32, #tpu.memory_space<hbm>>
    %dma_start3A_140 = arith.constant 0 : i32
    %dma_start3A_141 = arith.constant 0 : i32
    %dma_start3A_142 = tpu.memref_slice %arg8[%dma_start3A_140, %dma_start3A_141] : memref<128x128xf32, #tpu.memory_space<vmem>> -> memref<64x128xf32, #tpu.memory_space<vmem>>
    tpu.enqueue_dma source(%dma_start3A_142 : memref<64x128xf32, #tpu.memory_space<vmem>>) target(%dma_start3A_139 : memref<64x128xf32, #tpu.memory_space<hbm>>) target_semaphore(%arg22 : memref<!tpu.dma_semaphore, #tpu.memory_space<semaphore_mem>>)
    %dma_start3A_143 = arith.constant 0 : i32
    %dma_start3A_144 = arith.constant 0 : i32
    %dma_start3A_145 = tpu.memref_slice %arg11[%dma_start3A_143, %dma_start3A_144] : memref<128x128xf32, #tpu.memory_space<vmem>> -> memref<64x128xf32, #tpu.memory_space<vmem>>
    %dma_start3A_146 = arith.constant 0 : i32
    %dma_start3A_147 = tpu.memref_slice %arg6[%add3A_132, %dma_start3A_146] : memref<32768x128xf32, #tpu.memory_space<hbm>> -> memref<64x128xf32, #tpu.memory_space<hbm>>
    %dma_start3A_148 = arith.constant 0 : i32
    %dma_start3A_149 = tpu.memref_slice %arg6[%add3A_132, %dma_start3A_148] : memref<32768x128xf32, #tpu.memory_space<hbm>> -> memref<64x128xf32, #tpu.memory_space<hbm>>
    %dma_start3A_150 = arith.constant 0 : i32
    %dma_start3A_151 = arith.constant 0 : i32
    %dma_start3A_152 = tpu.memref_slice %arg11[%dma_start3A_150, %dma_start3A_151] : memref<128x128xf32, #tpu.memory_space<vmem>> -> memref<64x128xf32, #tpu.memory_space<vmem>>
    tpu.enqueue_dma source(%dma_start3A_152 : memref<64x128xf32, #tpu.memory_space<vmem>>) target(%dma_start3A_149 : memref<64x128xf32, #tpu.memory_space<hbm>>) target_semaphore(%arg23 : memref<!tpu.dma_semaphore, #tpu.memory_space<semaphore_mem>>)
    %dma_wait3A_153 = arith.constant 0 : i32
    %dma_wait3A_154 = arith.constant 0 : i32
    %dma_wait3A_155 = tpu.memref_slice %arg8[%dma_wait3A_153, %dma_wait3A_154] : memref<128x128xf32, #tpu.memory_space<vmem>> -> memref<64x128xf32, #tpu.memory_space<vmem>>
    %dma_wait3A_156 = arith.constant 0 : i32
    %dma_wait3A_157 = tpu.memref_slice %arg5[%add3A_132, %dma_wait3A_156] : memref<32768x128xf32, #tpu.memory_space<hbm>> -> memref<64x128xf32, #tpu.memory_space<hbm>>
    %dma_wait3A_158 = arith.constant 0 : i32
    %dma_wait3A_159 = tpu.memref_slice %arg5[%add3A_132, %dma_wait3A_158] : memref<32768x128xf32, #tpu.memory_space<hbm>> -> memref<64x128xf32, #tpu.memory_space<hbm>>
    %dma_wait3A_160 = arith.constant 0 : i32
    %dma_wait3A_161 = arith.constant 0 : i32
    %dma_wait3A_162 = tpu.memref_slice %arg8[%dma_wait3A_160, %dma_wait3A_161] : memref<128x128xf32, #tpu.memory_space<vmem>> -> memref<64x128xf32, #tpu.memory_space<vmem>>
    tpu.wait_dma2 semaphore(%arg22 : memref<!tpu.dma_semaphore, #tpu.memory_space<semaphore_mem>>) src(%dma_wait3A_162 : memref<64x128xf32, #tpu.memory_space<vmem>>) dst(%dma_wait3A_159 : memref<64x128xf32, #tpu.memory_space<hbm>>)
    %dma_wait3A_163 = arith.constant 0 : i32
    %dma_wait3A_164 = arith.constant 0 : i32
    %dma_wait3A_165 = tpu.memref_slice %arg11[%dma_wait3A_163, %dma_wait3A_164] : memref<128x128xf32, #tpu.memory_space<vmem>> -> memref<64x128xf32, #tpu.memory_space<vmem>>
    %dma_wait3A_166 = arith.constant 0 : i32
    %dma_wait3A_167 = tpu.memref_slice %arg6[%add3A_132, %dma_wait3A_166] : memref<32768x128xf32, #tpu.memory_space<hbm>> -> memref<64x128xf32, #tpu.memory_space<hbm>>
    %dma_wait3A_168 = arith.constant 0 : i32
    %dma_wait3A_169 = tpu.memref_slice %arg6[%add3A_132, %dma_wait3A_168] : memref<32768x128xf32, #tpu.memory_space<hbm>> -> memref<64x128xf32, #tpu.memory_space<hbm>>
    %dma_wait3A_170 = arith.constant 0 : i32
    %dma_wait3A_171 = arith.constant 0 : i32
    %dma_wait3A_172 = tpu.memref_slice %arg11[%dma_wait3A_170, %dma_wait3A_171] : memref<128x128xf32, #tpu.memory_space<vmem>> -> memref<64x128xf32, #tpu.memory_space<vmem>>
    tpu.wait_dma2 semaphore(%arg23 : memref<!tpu.dma_semaphore, #tpu.memory_space<semaphore_mem>>) src(%dma_wait3A_172 : memref<64x128xf32, #tpu.memory_space<vmem>>) dst(%dma_wait3A_169 : memref<64x128xf32, #tpu.memory_space<hbm>>)
    %dma_start3A_173 = arith.constant 0 : i32
    %dma_start3A_174 = arith.constant 0 : i32
    %dma_start3A_175 = tpu.memref_slice %arg8[%dma_start3A_173, %dma_start3A_174] : memref<128x128xf32, #tpu.memory_space<vmem>> -> memref<128x128xf32, #tpu.memory_space<vmem>>
    %dma_start3A_176 = arith.constant 320 : i32
    %dma_start3A_177 = tpu.memref_slice %arg7[%dma_start3A_176] : memref<1024xi32, #tpu.memory_space<vmem>> -> memref<128xi32, #tpu.memory_space<vmem>>
    %dma_start3A_178 = arith.constant 0 : i32
    %dma_start3A_179 = arith.constant 0 : i32
    %dma_start3A_180 = tpu.memref_slice %arg3[%dma_start3A_178, %dma_start3A_179] : memref<8192x128xf32, #tpu.memory_space<hbm>> -> memref<8192x128xf32, #tpu.memory_space<hbm>>
    tpu.enqueue_indirect_dma source(%dma_start3A_180 : memref<8192x128xf32, #tpu.memory_space<hbm>>) target(%dma_start3A_175 : memref<128x128xf32, #tpu.memory_space<vmem>>) offsets(%dma_start3A_177 : memref<128xi32, #tpu.memory_space<vmem>>) semaphore(%arg16 : memref<!tpu.dma_semaphore, #tpu.memory_space<semaphore_mem>>)
    %dma_start3A_181 = arith.constant 0 : i32
    %dma_start3A_182 = arith.constant 0 : i32
    %dma_start3A_183 = tpu.memref_slice %arg11[%dma_start3A_181, %dma_start3A_182] : memref<128x128xf32, #tpu.memory_space<vmem>> -> memref<128x128xf32, #tpu.memory_space<vmem>>
    %dma_start3A_184 = arith.constant 320 : i32
    %dma_start3A_185 = tpu.memref_slice %arg7[%dma_start3A_184] : memref<1024xi32, #tpu.memory_space<vmem>> -> memref<128xi32, #tpu.memory_space<vmem>>
    %dma_start3A_186 = arith.constant 0 : i32
    %dma_start3A_187 = arith.constant 0 : i32
    %dma_start3A_188 = tpu.memref_slice %arg4[%dma_start3A_186, %dma_start3A_187] : memref<8192x128xf32, #tpu.memory_space<hbm>> -> memref<8192x128xf32, #tpu.memory_space<hbm>>
    tpu.enqueue_indirect_dma source(%dma_start3A_188 : memref<8192x128xf32, #tpu.memory_space<hbm>>) target(%dma_start3A_183 : memref<128x128xf32, #tpu.memory_space<vmem>>) offsets(%dma_start3A_185 : memref<128xi32, #tpu.memory_space<vmem>>) semaphore(%arg17 : memref<!tpu.dma_semaphore, #tpu.memory_space<semaphore_mem>>)
    %dma_wait3A_189 = arith.constant 0 : i32
    %dma_wait3A_190 = arith.constant 0 : i32
    %dma_wait3A_191 = tpu.memref_slice %arg9[%dma_wait3A_189, %dma_wait3A_190] : memref<128x128xf32, #tpu.memory_space<vmem>> -> memref<128x128xf32, #tpu.memory_space<vmem>>
    %dma_wait3A_192 = arith.constant 64 : i32
    %dma_wait3A_193 = tpu.memref_slice %arg7[%dma_wait3A_192] : memref<1024xi32, #tpu.memory_space<vmem>> -> memref<128xi32, #tpu.memory_space<vmem>>
    %dma_wait3A_194 = arith.constant 0 : i32
    %dma_wait3A_195 = arith.constant 0 : i32
    %dma_wait3A_196 = tpu.memref_slice %arg3[%dma_wait3A_194, %dma_wait3A_195] : memref<8192x128xf32, #tpu.memory_space<hbm>> -> memref<8192x128xf32, #tpu.memory_space<hbm>>
    tpu.wait_indirect_dma semaphore(%arg18 : memref<!tpu.dma_semaphore, #tpu.memory_space<semaphore_mem>>) src(%dma_wait3A_196 : memref<8192x128xf32, #tpu.memory_space<hbm>>) dst(%dma_wait3A_191 : memref<128x128xf32, #tpu.memory_space<vmem>>)
    %dma_wait3A_197 = arith.constant 0 : i32
    %dma_wait3A_198 = arith.constant 0 : i32
    %dma_wait3A_199 = tpu.memref_slice %arg12[%dma_wait3A_197, %dma_wait3A_198] : memref<128x128xf32, #tpu.memory_space<vmem>> -> memref<128x128xf32, #tpu.memory_space<vmem>>
    %dma_wait3A_200 = arith.constant 64 : i32
    %dma_wait3A_201 = tpu.memref_slice %arg7[%dma_wait3A_200] : memref<1024xi32, #tpu.memory_space<vmem>> -> memref<128xi32, #tpu.memory_space<vmem>>
    %dma_wait3A_202 = arith.constant 0 : i32
    %dma_wait3A_203 = arith.constant 0 : i32
    %dma_wait3A_204 = tpu.memref_slice %arg4[%dma_wait3A_202, %dma_wait3A_203] : memref<8192x128xf32, #tpu.memory_space<hbm>> -> memref<8192x128xf32, #tpu.memory_space<hbm>>
    tpu.wait_indirect_dma semaphore(%arg19 : memref<!tpu.dma_semaphore, #tpu.memory_space<semaphore_mem>>) src(%dma_wait3A_204 : memref<8192x128xf32, #tpu.memory_space<hbm>>) dst(%dma_wait3A_199 : memref<128x128xf32, #tpu.memory_space<vmem>>)
    %mul3A_205 = arith.constant 1024 : i32
    %mul3A_206 = arith.muli %add3A, %mul3A_205 : i32
    %add3A_207 = arith.constant 64 : i32
    %add3A_208 = arith.addi %mul3A_206, %add3A_207 : i32
    %dma_start3A_209 = arith.constant 0 : i32
    %dma_start3A_210 = arith.constant 0 : i32
    %dma_start3A_211 = tpu.memref_slice %arg9[%dma_start3A_209, %dma_start3A_210] : memref<128x128xf32, #tpu.memory_space<vmem>> -> memref<128x128xf32, #tpu.memory_space<vmem>>
    %dma_start3A_212 = arith.constant 0 : i32
    %dma_start3A_213 = tpu.memref_slice %arg5[%add3A_208, %dma_start3A_212] : memref<32768x128xf32, #tpu.memory_space<hbm>> -> memref<128x128xf32, #tpu.memory_space<hbm>>
    %dma_start3A_214 = arith.constant 0 : i32
    %dma_start3A_215 = tpu.memref_slice %arg5[%add3A_208, %dma_start3A_214] : memref<32768x128xf32, #tpu.memory_space<hbm>> -> memref<128x128xf32, #tpu.memory_space<hbm>>
    %dma_start3A_216 = arith.constant 0 : i32
    %dma_start3A_217 = arith.constant 0 : i32
    %dma_start3A_218 = tpu.memref_slice %arg9[%dma_start3A_216, %dma_start3A_217] : memref<128x128xf32, #tpu.memory_space<vmem>> -> memref<128x128xf32, #tpu.memory_space<vmem>>
    tpu.enqueue_dma source(%dma_start3A_218 : memref<128x128xf32, #tpu.memory_space<vmem>>) target(%dma_start3A_215 : memref<128x128xf32, #tpu.memory_space<hbm>>) target_semaphore(%arg24 : memref<!tpu.dma_semaphore, #tpu.memory_space<semaphore_mem>>)
    %dma_start3A_219 = arith.constant 0 : i32
    %dma_start3A_220 = arith.constant 0 : i32
    %dma_start3A_221 = tpu.memref_slice %arg12[%dma_start3A_219, %dma_start3A_220] : memref<128x128xf32, #tpu.memory_space<vmem>> -> memref<128x128xf32, #tpu.memory_space<vmem>>
    %dma_start3A_222 = arith.constant 0 : i32
    %dma_start3A_223 = tpu.memref_slice %arg6[%add3A_208, %dma_start3A_222] : memref<32768x128xf32, #tpu.memory_space<hbm>> -> memref<128x128xf32, #tpu.memory_space<hbm>>
    %dma_start3A_224 = arith.constant 0 : i32
    %dma_start3A_225 = tpu.memref_slice %arg6[%add3A_208, %dma_start3A_224] : memref<32768x128xf32, #tpu.memory_space<hbm>> -> memref<128x128xf32, #tpu.memory_space<hbm>>
    %dma_start3A_226 = arith.constant 0 : i32
    %dma_start3A_227 = arith.constant 0 : i32
    %dma_start3A_228 = tpu.memref_slice %arg12[%dma_start3A_226, %dma_start3A_227] : memref<128x128xf32, #tpu.memory_space<vmem>> -> memref<128x128xf32, #tpu.memory_space<vmem>>
    tpu.enqueue_dma source(%dma_start3A_228 : memref<128x128xf32, #tpu.memory_space<vmem>>) target(%dma_start3A_225 : memref<128x128xf32, #tpu.memory_space<hbm>>) target_semaphore(%arg25 : memref<!tpu.dma_semaphore, #tpu.memory_space<semaphore_mem>>)
    %dma_wait3A_229 = arith.constant 0 : i32
    %dma_wait3A_230 = arith.constant 0 : i32
    %dma_wait3A_231 = tpu.memref_slice %arg9[%dma_wait3A_229, %dma_wait3A_230] : memref<128x128xf32, #tpu.memory_space<vmem>> -> memref<128x128xf32, #tpu.memory_space<vmem>>
    %dma_wait3A_232 = arith.constant 0 : i32
    %dma_wait3A_233 = tpu.memref_slice %arg5[%add3A_208, %dma_wait3A_232] : memref<32768x128xf32, #tpu.memory_space<hbm>> -> memref<128x128xf32, #tpu.memory_space<hbm>>
    %dma_wait3A_234 = arith.constant 0 : i32
    %dma_wait3A_235 = tpu.memref_slice %arg5[%add3A_208, %dma_wait3A_234] : memref<32768x128xf32, #tpu.memory_space<hbm>> -> memref<128x128xf32, #tpu.memory_space<hbm>>
    %dma_wait3A_236 = arith.constant 0 : i32
    %dma_wait3A_237 = arith.constant 0 : i32
    %dma_wait3A_238 = tpu.memref_slice %arg9[%dma_wait3A_236, %dma_wait3A_237] : memref<128x128xf32, #tpu.memory_space<vmem>> -> memref<128x128xf32, #tpu.memory_space<vmem>>
    tpu.wait_dma2 semaphore(%arg24 : memref<!tpu.dma_semaphore, #tpu.memory_space<semaphore_mem>>) src(%dma_wait3A_238 : memref<128x128xf32, #tpu.memory_space<vmem>>) dst(%dma_wait3A_235 : memref<128x128xf32, #tpu.memory_space<hbm>>)
    %dma_wait3A_239 = arith.constant 0 : i32
    %dma_wait3A_240 = arith.constant 0 : i32
    %dma_wait3A_241 = tpu.memref_slice %arg12[%dma_wait3A_239, %dma_wait3A_240] : memref<128x128xf32, #tpu.memory_space<vmem>> -> memref<128x128xf32, #tpu.memory_space<vmem>>
    %dma_wait3A_242 = arith.constant 0 : i32
    %dma_wait3A_243 = tpu.memref_slice %arg6[%add3A_208, %dma_wait3A_242] : memref<32768x128xf32, #tpu.memory_space<hbm>> -> memref<128x128xf32, #tpu.memory_space<hbm>>
    %dma_wait3A_244 = arith.constant 0 : i32
    %dma_wait3A_245 = tpu.memref_slice %arg6[%add3A_208, %dma_wait3A_244] : memref<32768x128xf32, #tpu.memory_space<hbm>> -> memref<128x128xf32, #tpu.memory_space<hbm>>
    %dma_wait3A_246 = arith.constant 0 : i32
    %dma_wait3A_247 = arith.constant 0 : i32
    %dma_wait3A_248 = tpu.memref_slice %arg12[%dma_wait3A_246, %dma_wait3A_247] : memref<128x128xf32, #tpu.memory_space<vmem>> -> memref<128x128xf32, #tpu.memory_space<vmem>>
    tpu.wait_dma2 semaphore(%arg25 : memref<!tpu.dma_semaphore, #tpu.memory_space<semaphore_mem>>) src(%dma_wait3A_248 : memref<128x128xf32, #tpu.memory_space<vmem>>) dst(%dma_wait3A_245 : memref<128x128xf32, #tpu.memory_space<hbm>>)
    %dma_start3A_249 = arith.constant 0 : i32
    %dma_start3A_250 = arith.constant 0 : i32
    %dma_start3A_251 = tpu.memref_slice %arg9[%dma_start3A_249, %dma_start3A_250] : memref<128x128xf32, #tpu.memory_space<vmem>> -> memref<128x128xf32, #tpu.memory_space<vmem>>
    %dma_start3A_252 = arith.constant 448 : i32
    %dma_start3A_253 = tpu.memref_slice %arg7[%dma_start3A_252] : memref<1024xi32, #tpu.memory_space<vmem>> -> memref<128xi32, #tpu.memory_space<vmem>>
    %dma_start3A_254 = arith.constant 0 : i32
    %dma_start3A_255 = arith.constant 0 : i32
    %dma_start3A_256 = tpu.memref_slice %arg3[%dma_start3A_254, %dma_start3A_255] : memref<8192x128xf32, #tpu.memory_space<hbm>> -> memref<8192x128xf32, #tpu.memory_space<hbm>>
    tpu.enqueue_indirect_dma source(%dma_start3A_256 : memref<8192x128xf32, #tpu.memory_space<hbm>>) target(%dma_start3A_251 : memref<128x128xf32, #tpu.memory_space<vmem>>) offsets(%dma_start3A_253 : memref<128xi32, #tpu.memory_space<vmem>>) semaphore(%arg18 : memref<!tpu.dma_semaphore, #tpu.memory_space<semaphore_mem>>)
    %dma_start3A_257 = arith.constant 0 : i32
    %dma_start3A_258 = arith.constant 0 : i32
    %dma_start3A_259 = tpu.memref_slice %arg12[%dma_start3A_257, %dma_start3A_258] : memref<128x128xf32, #tpu.memory_space<vmem>> -> memref<128x128xf32, #tpu.memory_space<vmem>>
    %dma_start3A_260 = arith.constant 448 : i32
    %dma_start3A_261 = tpu.memref_slice %arg7[%dma_start3A_260] : memref<1024xi32, #tpu.memory_space<vmem>> -> memref<128xi32, #tpu.memory_space<vmem>>
    %dma_start3A_262 = arith.constant 0 : i32
    %dma_start3A_263 = arith.constant 0 : i32
    %dma_start3A_264 = tpu.memref_slice %arg4[%dma_start3A_262, %dma_start3A_263] : memref<8192x128xf32, #tpu.memory_space<hbm>> -> memref<8192x128xf32, #tpu.memory_space<hbm>>
    tpu.enqueue_indirect_dma source(%dma_start3A_264 : memref<8192x128xf32, #tpu.memory_space<hbm>>) target(%dma_start3A_259 : memref<128x128xf32, #tpu.memory_space<vmem>>) offsets(%dma_start3A_261 : memref<128xi32, #tpu.memory_space<vmem>>) semaphore(%arg19 : memref<!tpu.dma_semaphore, #tpu.memory_space<semaphore_mem>>)
    %dma_wait3A_265 = arith.constant 0 : i32
    %dma_wait3A_266 = arith.constant 0 : i32
    %dma_wait3A_267 = tpu.memref_slice %arg10[%dma_wait3A_265, %dma_wait3A_266] : memref<128x128xf32, #tpu.memory_space<vmem>> -> memref<128x128xf32, #tpu.memory_space<vmem>>
    %dma_wait3A_268 = arith.constant 192 : i32
    %dma_wait3A_269 = tpu.memref_slice %arg7[%dma_wait3A_268] : memref<1024xi32, #tpu.memory_space<vmem>> -> memref<128xi32, #tpu.memory_space<vmem>>
    %dma_wait3A_270 = arith.constant 0 : i32
    %dma_wait3A_271 = arith.constant 0 : i32
    %dma_wait3A_272 = tpu.memref_slice %arg3[%dma_wait3A_270, %dma_wait3A_271] : memref<8192x128xf32, #tpu.memory_space<hbm>> -> memref<8192x128xf32, #tpu.memory_space<hbm>>
    tpu.wait_indirect_dma semaphore(%arg20 : memref<!tpu.dma_semaphore, #tpu.memory_space<semaphore_mem>>) src(%dma_wait3A_272 : memref<8192x128xf32, #tpu.memory_space<hbm>>) dst(%dma_wait3A_267 : memref<128x128xf32, #tpu.memory_space<vmem>>)
    %dma_wait3A_273 = arith.constant 0 : i32
    %dma_wait3A_274 = arith.constant 0 : i32
    %dma_wait3A_275 = tpu.memref_slice %arg13[%dma_wait3A_273, %dma_wait3A_274] : memref<128x128xf32, #tpu.memory_space<vmem>> -> memref<128x128xf32, #tpu.memory_space<vmem>>
    %dma_wait3A_276 = arith.constant 192 : i32
    %dma_wait3A_277 = tpu.memref_slice %arg7[%dma_wait3A_276] : memref<1024xi32, #tpu.memory_space<vmem>> -> memref<128xi32, #tpu.memory_space<vmem>>
    %dma_wait3A_278 = arith.constant 0 : i32
    %dma_wait3A_279 = arith.constant 0 : i32
    %dma_wait3A_280 = tpu.memref_slice %arg4[%dma_wait3A_278, %dma_wait3A_279] : memref<8192x128xf32, #tpu.memory_space<hbm>> -> memref<8192x128xf32, #tpu.memory_space<hbm>>
    tpu.wait_indirect_dma semaphore(%arg21 : memref<!tpu.dma_semaphore, #tpu.memory_space<semaphore_mem>>) src(%dma_wait3A_280 : memref<8192x128xf32, #tpu.memory_space<hbm>>) dst(%dma_wait3A_275 : memref<128x128xf32, #tpu.memory_space<vmem>>)
    %mul3A_281 = arith.constant 1024 : i32
    %mul3A_282 = arith.muli %add3A, %mul3A_281 : i32
    %add3A_283 = arith.constant 192 : i32
    %add3A_284 = arith.addi %mul3A_282, %add3A_283 : i32
    %dma_start3A_285 = arith.constant 0 : i32
    %dma_start3A_286 = arith.constant 0 : i32
    %dma_start3A_287 = tpu.memref_slice %arg10[%dma_start3A_285, %dma_start3A_286] : memref<128x128xf32, #tpu.memory_space<vmem>> -> memref<128x128xf32, #tpu.memory_space<vmem>>
    %dma_start3A_288 = arith.constant 0 : i32
    %dma_start3A_289 = tpu.memref_slice %arg5[%add3A_284, %dma_start3A_288] : memref<32768x128xf32, #tpu.memory_space<hbm>> -> memref<128x128xf32, #tpu.memory_space<hbm>>
    %dma_start3A_290 = arith.constant 0 : i32
    %dma_start3A_291 = tpu.memref_slice %arg5[%add3A_284, %dma_start3A_290] : memref<32768x128xf32, #tpu.memory_space<hbm>> -> memref<128x128xf32, #tpu.memory_space<hbm>>
    %dma_start3A_292 = arith.constant 0 : i32
    %dma_start3A_293 = arith.constant 0 : i32
    %dma_start3A_294 = tpu.memref_slice %arg10[%dma_start3A_292, %dma_start3A_293] : memref<128x128xf32, #tpu.memory_space<vmem>> -> memref<128x128xf32, #tpu.memory_space<vmem>>
    tpu.enqueue_dma source(%dma_start3A_294 : memref<128x128xf32, #tpu.memory_space<vmem>>) target(%dma_start3A_291 : memref<128x128xf32, #tpu.memory_space<hbm>>) target_semaphore(%arg26 : memref<!tpu.dma_semaphore, #tpu.memory_space<semaphore_mem>>)
    %dma_start3A_295 = arith.constant 0 : i32
    %dma_start3A_296 = arith.constant 0 : i32
    %dma_start3A_297 = tpu.memref_slice %arg13[%dma_start3A_295, %dma_start3A_296] : memref<128x128xf32, #tpu.memory_space<vmem>> -> memref<128x128xf32, #tpu.memory_space<vmem>>
    %dma_start3A_298 = arith.constant 0 : i32
    %dma_start3A_299 = tpu.memref_slice %arg6[%add3A_284, %dma_start3A_298] : memref<32768x128xf32, #tpu.memory_space<hbm>> -> memref<128x128xf32, #tpu.memory_space<hbm>>
    %dma_start3A_300 = arith.constant 0 : i32
    %dma_start3A_301 = tpu.memref_slice %arg6[%add3A_284, %dma_start3A_300] : memref<32768x128xf32, #tpu.memory_space<hbm>> -> memref<128x128xf32, #tpu.memory_space<hbm>>
    %dma_start3A_302 = arith.constant 0 : i32
    %dma_start3A_303 = arith.constant 0 : i32
    %dma_start3A_304 = tpu.memref_slice %arg13[%dma_start3A_302, %dma_start3A_303] : memref<128x128xf32, #tpu.memory_space<vmem>> -> memref<128x128xf32, #tpu.memory_space<vmem>>
    tpu.enqueue_dma source(%dma_start3A_304 : memref<128x128xf32, #tpu.memory_space<vmem>>) target(%dma_start3A_301 : memref<128x128xf32, #tpu.memory_space<hbm>>) target_semaphore(%arg27 : memref<!tpu.dma_semaphore, #tpu.memory_space<semaphore_mem>>)
    %dma_wait3A_305 = arith.constant 0 : i32
    %dma_wait3A_306 = arith.constant 0 : i32
    %dma_wait3A_307 = tpu.memref_slice %arg10[%dma_wait3A_305, %dma_wait3A_306] : memref<128x128xf32, #tpu.memory_space<vmem>> -> memref<128x128xf32, #tpu.memory_space<vmem>>
    %dma_wait3A_308 = arith.constant 0 : i32
    %dma_wait3A_309 = tpu.memref_slice %arg5[%add3A_284, %dma_wait3A_308] : memref<32768x128xf32, #tpu.memory_space<hbm>> -> memref<128x128xf32, #tpu.memory_space<hbm>>
    %dma_wait3A_310 = arith.constant 0 : i32
    %dma_wait3A_311 = tpu.memref_slice %arg5[%add3A_284, %dma_wait3A_310] : memref<32768x128xf32, #tpu.memory_space<hbm>> -> memref<128x128xf32, #tpu.memory_space<hbm>>
    %dma_wait3A_312 = arith.constant 0 : i32
    %dma_wait3A_313 = arith.constant 0 : i32
    %dma_wait3A_314 = tpu.memref_slice %arg10[%dma_wait3A_312, %dma_wait3A_313] : memref<128x128xf32, #tpu.memory_space<vmem>> -> memref<128x128xf32, #tpu.memory_space<vmem>>
    tpu.wait_dma2 semaphore(%arg26 : memref<!tpu.dma_semaphore, #tpu.memory_space<semaphore_mem>>) src(%dma_wait3A_314 : memref<128x128xf32, #tpu.memory_space<vmem>>) dst(%dma_wait3A_311 : memref<128x128xf32, #tpu.memory_space<hbm>>)
    %dma_wait3A_315 = arith.constant 0 : i32
    %dma_wait3A_316 = arith.constant 0 : i32
    %dma_wait3A_317 = tpu.memref_slice %arg13[%dma_wait3A_315, %dma_wait3A_316] : memref<128x128xf32, #tpu.memory_space<vmem>> -> memref<128x128xf32, #tpu.memory_space<vmem>>
    %dma_wait3A_318 = arith.constant 0 : i32
    %dma_wait3A_319 = tpu.memref_slice %arg6[%add3A_284, %dma_wait3A_318] : memref<32768x128xf32, #tpu.memory_space<hbm>> -> memref<128x128xf32, #tpu.memory_space<hbm>>
    %dma_wait3A_320 = arith.constant 0 : i32
    %dma_wait3A_321 = tpu.memref_slice %arg6[%add3A_284, %dma_wait3A_320] : memref<32768x128xf32, #tpu.memory_space<hbm>> -> memref<128x128xf32, #tpu.memory_space<hbm>>
    %dma_wait3A_322 = arith.constant 0 : i32
    %dma_wait3A_323 = arith.constant 0 : i32
    %dma_wait3A_324 = tpu.memref_slice %arg13[%dma_wait3A_322, %dma_wait3A_323] : memref<128x128xf32, #tpu.memory_space<vmem>> -> memref<128x128xf32, #tpu.memory_space<vmem>>
    tpu.wait_dma2 semaphore(%arg27 : memref<!tpu.dma_semaphore, #tpu.memory_space<semaphore_mem>>) src(%dma_wait3A_324 : memref<128x128xf32, #tpu.memory_space<vmem>>) dst(%dma_wait3A_321 : memref<128x128xf32, #tpu.memory_space<hbm>>)
    %dma_start3A_325 = arith.constant 0 : i32
    %dma_start3A_326 = arith.constant 0 : i32
    %dma_start3A_327 = tpu.memref_slice %arg10[%dma_start3A_325, %dma_start3A_326] : memref<128x128xf32, #tpu.memory_space<vmem>> -> memref<128x128xf32, #tpu.memory_space<vmem>>
    %dma_start3A_328 = arith.constant 576 : i32
    %dma_start3A_329 = tpu.memref_slice %arg7[%dma_start3A_328] : memref<1024xi32, #tpu.memory_space<vmem>> -> memref<128xi32, #tpu.memory_space<vmem>>
    %dma_start3A_330 = arith.constant 0 : i32
    %dma_start3A_331 = arith.constant 0 : i32
    %dma_start3A_332 = tpu.memref_slice %arg3[%dma_start3A_330, %dma_start3A_331] : memref<8192x128xf32, #tpu.memory_space<hbm>> -> memref<8192x128xf32, #tpu.memory_space<hbm>>
    tpu.enqueue_indirect_dma source(%dma_start3A_332 : memref<8192x128xf32, #tpu.memory_space<hbm>>) target(%dma_start3A_327 : memref<128x128xf32, #tpu.memory_space<vmem>>) offsets(%dma_start3A_329 : memref<128xi32, #tpu.memory_space<vmem>>) semaphore(%arg20 : memref<!tpu.dma_semaphore, #tpu.memory_space<semaphore_mem>>)
    %dma_start3A_333 = arith.constant 0 : i32
    %dma_start3A_334 = arith.constant 0 : i32
    %dma_start3A_335 = tpu.memref_slice %arg13[%dma_start3A_333, %dma_start3A_334] : memref<128x128xf32, #tpu.memory_space<vmem>> -> memref<128x128xf32, #tpu.memory_space<vmem>>
    %dma_start3A_336 = arith.constant 576 : i32
    %dma_start3A_337 = tpu.memref_slice %arg7[%dma_start3A_336] : memref<1024xi32, #tpu.memory_space<vmem>> -> memref<128xi32, #tpu.memory_space<vmem>>
    %dma_start3A_338 = arith.constant 0 : i32
    %dma_start3A_339 = arith.constant 0 : i32
    %dma_start3A_340 = tpu.memref_slice %arg4[%dma_start3A_338, %dma_start3A_339] : memref<8192x128xf32, #tpu.memory_space<hbm>> -> memref<8192x128xf32, #tpu.memory_space<hbm>>
    tpu.enqueue_indirect_dma source(%dma_start3A_340 : memref<8192x128xf32, #tpu.memory_space<hbm>>) target(%dma_start3A_335 : memref<128x128xf32, #tpu.memory_space<vmem>>) offsets(%dma_start3A_337 : memref<128xi32, #tpu.memory_space<vmem>>) semaphore(%arg21 : memref<!tpu.dma_semaphore, #tpu.memory_space<semaphore_mem>>)
    %dma_wait3A_341 = arith.constant 0 : i32
    %dma_wait3A_342 = arith.constant 0 : i32
    %dma_wait3A_343 = tpu.memref_slice %arg8[%dma_wait3A_341, %dma_wait3A_342] : memref<128x128xf32, #tpu.memory_space<vmem>> -> memref<128x128xf32, #tpu.memory_space<vmem>>
    %dma_wait3A_344 = arith.constant 320 : i32
    %dma_wait3A_345 = tpu.memref_slice %arg7[%dma_wait3A_344] : memref<1024xi32, #tpu.memory_space<vmem>> -> memref<128xi32, #tpu.memory_space<vmem>>
    %dma_wait3A_346 = arith.constant 0 : i32
    %dma_wait3A_347 = arith.constant 0 : i32
    %dma_wait3A_348 = tpu.memref_slice %arg3[%dma_wait3A_346, %dma_wait3A_347] : memref<8192x128xf32, #tpu.memory_space<hbm>> -> memref<8192x128xf32, #tpu.memory_space<hbm>>
    tpu.wait_indirect_dma semaphore(%arg16 : memref<!tpu.dma_semaphore, #tpu.memory_space<semaphore_mem>>) src(%dma_wait3A_348 : memref<8192x128xf32, #tpu.memory_space<hbm>>) dst(%dma_wait3A_343 : memref<128x128xf32, #tpu.memory_space<vmem>>)
    %dma_wait3A_349 = arith.constant 0 : i32
    %dma_wait3A_350 = arith.constant 0 : i32
    %dma_wait3A_351 = tpu.memref_slice %arg11[%dma_wait3A_349, %dma_wait3A_350] : memref<128x128xf32, #tpu.memory_space<vmem>> -> memref<128x128xf32, #tpu.memory_space<vmem>>
    %dma_wait3A_352 = arith.constant 320 : i32
    %dma_wait3A_353 = tpu.memref_slice %arg7[%dma_wait3A_352] : memref<1024xi32, #tpu.memory_space<vmem>> -> memref<128xi32, #tpu.memory_space<vmem>>
    %dma_wait3A_354 = arith.constant 0 : i32
    %dma_wait3A_355 = arith.constant 0 : i32
    %dma_wait3A_356 = tpu.memref_slice %arg4[%dma_wait3A_354, %dma_wait3A_355] : memref<8192x128xf32, #tpu.memory_space<hbm>> -> memref<8192x128xf32, #tpu.memory_space<hbm>>
    tpu.wait_indirect_dma semaphore(%arg17 : memref<!tpu.dma_semaphore, #tpu.memory_space<semaphore_mem>>) src(%dma_wait3A_356 : memref<8192x128xf32, #tpu.memory_space<hbm>>) dst(%dma_wait3A_351 : memref<128x128xf32, #tpu.memory_space<vmem>>)
    %mul3A_357 = arith.constant 1024 : i32
    %mul3A_358 = arith.muli %add3A, %mul3A_357 : i32
    %add3A_359 = arith.constant 320 : i32
    %add3A_360 = arith.addi %mul3A_358, %add3A_359 : i32
    %dma_start3A_361 = arith.constant 0 : i32
    %dma_start3A_362 = arith.constant 0 : i32
    %dma_start3A_363 = tpu.memref_slice %arg8[%dma_start3A_361, %dma_start3A_362] : memref<128x128xf32, #tpu.memory_space<vmem>> -> memref<128x128xf32, #tpu.memory_space<vmem>>
    %dma_start3A_364 = arith.constant 0 : i32
    %dma_start3A_365 = tpu.memref_slice %arg5[%add3A_360, %dma_start3A_364] : memref<32768x128xf32, #tpu.memory_space<hbm>> -> memref<128x128xf32, #tpu.memory_space<hbm>>
    %dma_start3A_366 = arith.constant 0 : i32
    %dma_start3A_367 = tpu.memref_slice %arg5[%add3A_360, %dma_start3A_366] : memref<32768x128xf32, #tpu.memory_space<hbm>> -> memref<128x128xf32, #tpu.memory_space<hbm>>
    %dma_start3A_368 = arith.constant 0 : i32
    %dma_start3A_369 = arith.constant 0 : i32
    %dma_start3A_370 = tpu.memref_slice %arg8[%dma_start3A_368, %dma_start3A_369] : memref<128x128xf32, #tpu.memory_space<vmem>> -> memref<128x128xf32, #tpu.memory_space<vmem>>
    tpu.enqueue_dma source(%dma_start3A_370 : memref<128x128xf32, #tpu.memory_space<vmem>>) target(%dma_start3A_367 : memref<128x128xf32, #tpu.memory_space<hbm>>) target_semaphore(%arg22 : memref<!tpu.dma_semaphore, #tpu.memory_space<semaphore_mem>>)
    %dma_start3A_371 = arith.constant 0 : i32
    %dma_start3A_372 = arith.constant 0 : i32
    %dma_start3A_373 = tpu.memref_slice %arg11[%dma_start3A_371, %dma_start3A_372] : memref<128x128xf32, #tpu.memory_space<vmem>> -> memref<128x128xf32, #tpu.memory_space<vmem>>
    %dma_start3A_374 = arith.constant 0 : i32
    %dma_start3A_375 = tpu.memref_slice %arg6[%add3A_360, %dma_start3A_374] : memref<32768x128xf32, #tpu.memory_space<hbm>> -> memref<128x128xf32, #tpu.memory_space<hbm>>
    %dma_start3A_376 = arith.constant 0 : i32
    %dma_start3A_377 = tpu.memref_slice %arg6[%add3A_360, %dma_start3A_376] : memref<32768x128xf32, #tpu.memory_space<hbm>> -> memref<128x128xf32, #tpu.memory_space<hbm>>
    %dma_start3A_378 = arith.constant 0 : i32
    %dma_start3A_379 = arith.constant 0 : i32
    %dma_start3A_380 = tpu.memref_slice %arg11[%dma_start3A_378, %dma_start3A_379] : memref<128x128xf32, #tpu.memory_space<vmem>> -> memref<128x128xf32, #tpu.memory_space<vmem>>
    tpu.enqueue_dma source(%dma_start3A_380 : memref<128x128xf32, #tpu.memory_space<vmem>>) target(%dma_start3A_377 : memref<128x128xf32, #tpu.memory_space<hbm>>) target_semaphore(%arg23 : memref<!tpu.dma_semaphore, #tpu.memory_space<semaphore_mem>>)
    %dma_wait3A_381 = arith.constant 0 : i32
    %dma_wait3A_382 = arith.constant 0 : i32
    %dma_wait3A_383 = tpu.memref_slice %arg8[%dma_wait3A_381, %dma_wait3A_382] : memref<128x128xf32, #tpu.memory_space<vmem>> -> memref<128x128xf32, #tpu.memory_space<vmem>>
    %dma_wait3A_384 = arith.constant 0 : i32
    %dma_wait3A_385 = tpu.memref_slice %arg5[%add3A_360, %dma_wait3A_384] : memref<32768x128xf32, #tpu.memory_space<hbm>> -> memref<128x128xf32, #tpu.memory_space<hbm>>
    %dma_wait3A_386 = arith.constant 0 : i32
    %dma_wait3A_387 = tpu.memref_slice %arg5[%add3A_360, %dma_wait3A_386] : memref<32768x128xf32, #tpu.memory_space<hbm>> -> memref<128x128xf32, #tpu.memory_space<hbm>>
    %dma_wait3A_388 = arith.constant 0 : i32
    %dma_wait3A_389 = arith.constant 0 : i32
    %dma_wait3A_390 = tpu.memref_slice %arg8[%dma_wait3A_388, %dma_wait3A_389] : memref<128x128xf32, #tpu.memory_space<vmem>> -> memref<128x128xf32, #tpu.memory_space<vmem>>
    tpu.wait_dma2 semaphore(%arg22 : memref<!tpu.dma_semaphore, #tpu.memory_space<semaphore_mem>>) src(%dma_wait3A_390 : memref<128x128xf32, #tpu.memory_space<vmem>>) dst(%dma_wait3A_387 : memref<128x128xf32, #tpu.memory_space<hbm>>)
    %dma_wait3A_391 = arith.constant 0 : i32
    %dma_wait3A_392 = arith.constant 0 : i32
    %dma_wait3A_393 = tpu.memref_slice %arg11[%dma_wait3A_391, %dma_wait3A_392] : memref<128x128xf32, #tpu.memory_space<vmem>> -> memref<128x128xf32, #tpu.memory_space<vmem>>
    %dma_wait3A_394 = arith.constant 0 : i32
    %dma_wait3A_395 = tpu.memref_slice %arg6[%add3A_360, %dma_wait3A_394] : memref<32768x128xf32, #tpu.memory_space<hbm>> -> memref<128x128xf32, #tpu.memory_space<hbm>>
    %dma_wait3A_396 = arith.constant 0 : i32
    %dma_wait3A_397 = tpu.memref_slice %arg6[%add3A_360, %dma_wait3A_396] : memref<32768x128xf32, #tpu.memory_space<hbm>> -> memref<128x128xf32, #tpu.memory_space<hbm>>
    %dma_wait3A_398 = arith.constant 0 : i32
    %dma_wait3A_399 = arith.constant 0 : i32
    %dma_wait3A_400 = tpu.memref_slice %arg11[%dma_wait3A_398, %dma_wait3A_399] : memref<128x128xf32, #tpu.memory_space<vmem>> -> memref<128x128xf32, #tpu.memory_space<vmem>>
    tpu.wait_dma2 semaphore(%arg23 : memref<!tpu.dma_semaphore, #tpu.memory_space<semaphore_mem>>) src(%dma_wait3A_400 : memref<128x128xf32, #tpu.memory_space<vmem>>) dst(%dma_wait3A_397 : memref<128x128xf32, #tpu.memory_space<hbm>>)
    %dma_start3A_401 = arith.constant 0 : i32
    %dma_start3A_402 = arith.constant 0 : i32
    %dma_start3A_403 = tpu.memref_slice %arg8[%dma_start3A_401, %dma_start3A_402] : memref<128x128xf32, #tpu.memory_space<vmem>> -> memref<128x128xf32, #tpu.memory_space<vmem>>
    %dma_start3A_404 = arith.constant 704 : i32
    %dma_start3A_405 = tpu.memref_slice %arg7[%dma_start3A_404] : memref<1024xi32, #tpu.memory_space<vmem>> -> memref<128xi32, #tpu.memory_space<vmem>>
    %dma_start3A_406 = arith.constant 0 : i32
    %dma_start3A_407 = arith.constant 0 : i32
    %dma_start3A_408 = tpu.memref_slice %arg3[%dma_start3A_406, %dma_start3A_407] : memref<8192x128xf32, #tpu.memory_space<hbm>> -> memref<8192x128xf32, #tpu.memory_space<hbm>>
    tpu.enqueue_indirect_dma source(%dma_start3A_408 : memref<8192x128xf32, #tpu.memory_space<hbm>>) target(%dma_start3A_403 : memref<128x128xf32, #tpu.memory_space<vmem>>) offsets(%dma_start3A_405 : memref<128xi32, #tpu.memory_space<vmem>>) semaphore(%arg16 : memref<!tpu.dma_semaphore, #tpu.memory_space<semaphore_mem>>)
    %dma_start3A_409 = arith.constant 0 : i32
    %dma_start3A_410 = arith.constant 0 : i32
    %dma_start3A_411 = tpu.memref_slice %arg11[%dma_start3A_409, %dma_start3A_410] : memref<128x128xf32, #tpu.memory_space<vmem>> -> memref<128x128xf32, #tpu.memory_space<vmem>>
    %dma_start3A_412 = arith.constant 704 : i32
    %dma_start3A_413 = tpu.memref_slice %arg7[%dma_start3A_412] : memref<1024xi32, #tpu.memory_space<vmem>> -> memref<128xi32, #tpu.memory_space<vmem>>
    %dma_start3A_414 = arith.constant 0 : i32
    %dma_start3A_415 = arith.constant 0 : i32
    %dma_start3A_416 = tpu.memref_slice %arg4[%dma_start3A_414, %dma_start3A_415] : memref<8192x128xf32, #tpu.memory_space<hbm>> -> memref<8192x128xf32, #tpu.memory_space<hbm>>
    tpu.enqueue_indirect_dma source(%dma_start3A_416 : memref<8192x128xf32, #tpu.memory_space<hbm>>) target(%dma_start3A_411 : memref<128x128xf32, #tpu.memory_space<vmem>>) offsets(%dma_start3A_413 : memref<128xi32, #tpu.memory_space<vmem>>) semaphore(%arg17 : memref<!tpu.dma_semaphore, #tpu.memory_space<semaphore_mem>>)
    %dma_wait3A_417 = arith.constant 0 : i32
    %dma_wait3A_418 = arith.constant 0 : i32
    %dma_wait3A_419 = tpu.memref_slice %arg9[%dma_wait3A_417, %dma_wait3A_418] : memref<128x128xf32, #tpu.memory_space<vmem>> -> memref<128x128xf32, #tpu.memory_space<vmem>>
    %dma_wait3A_420 = arith.constant 448 : i32
    %dma_wait3A_421 = tpu.memref_slice %arg7[%dma_wait3A_420] : memref<1024xi32, #tpu.memory_space<vmem>> -> memref<128xi32, #tpu.memory_space<vmem>>
    %dma_wait3A_422 = arith.constant 0 : i32
    %dma_wait3A_423 = arith.constant 0 : i32
    %dma_wait3A_424 = tpu.memref_slice %arg3[%dma_wait3A_422, %dma_wait3A_423] : memref<8192x128xf32, #tpu.memory_space<hbm>> -> memref<8192x128xf32, #tpu.memory_space<hbm>>
    tpu.wait_indirect_dma semaphore(%arg18 : memref<!tpu.dma_semaphore, #tpu.memory_space<semaphore_mem>>) src(%dma_wait3A_424 : memref<8192x128xf32, #tpu.memory_space<hbm>>) dst(%dma_wait3A_419 : memref<128x128xf32, #tpu.memory_space<vmem>>)
    %dma_wait3A_425 = arith.constant 0 : i32
    %dma_wait3A_426 = arith.constant 0 : i32
    %dma_wait3A_427 = tpu.memref_slice %arg12[%dma_wait3A_425, %dma_wait3A_426] : memref<128x128xf32, #tpu.memory_space<vmem>> -> memref<128x128xf32, #tpu.memory_space<vmem>>
    %dma_wait3A_428 = arith.constant 448 : i32
    %dma_wait3A_429 = tpu.memref_slice %arg7[%dma_wait3A_428] : memref<1024xi32, #tpu.memory_space<vmem>> -> memref<128xi32, #tpu.memory_space<vmem>>
    %dma_wait3A_430 = arith.constant 0 : i32
    %dma_wait3A_431 = arith.constant 0 : i32
    %dma_wait3A_432 = tpu.memref_slice %arg4[%dma_wait3A_430, %dma_wait3A_431] : memref<8192x128xf32, #tpu.memory_space<hbm>> -> memref<8192x128xf32, #tpu.memory_space<hbm>>
    tpu.wait_indirect_dma semaphore(%arg19 : memref<!tpu.dma_semaphore, #tpu.memory_space<semaphore_mem>>) src(%dma_wait3A_432 : memref<8192x128xf32, #tpu.memory_space<hbm>>) dst(%dma_wait3A_427 : memref<128x128xf32, #tpu.memory_space<vmem>>)
    %mul3A_433 = arith.constant 1024 : i32
    %mul3A_434 = arith.muli %add3A, %mul3A_433 : i32
    %add3A_435 = arith.constant 448 : i32
    %add3A_436 = arith.addi %mul3A_434, %add3A_435 : i32
    %dma_start3A_437 = arith.constant 0 : i32
    %dma_start3A_438 = arith.constant 0 : i32
    %dma_start3A_439 = tpu.memref_slice %arg9[%dma_start3A_437, %dma_start3A_438] : memref<128x128xf32, #tpu.memory_space<vmem>> -> memref<128x128xf32, #tpu.memory_space<vmem>>
    %dma_start3A_440 = arith.constant 0 : i32
    %dma_start3A_441 = tpu.memref_slice %arg5[%add3A_436, %dma_start3A_440] : memref<32768x128xf32, #tpu.memory_space<hbm>> -> memref<128x128xf32, #tpu.memory_space<hbm>>
    %dma_start3A_442 = arith.constant 0 : i32
    %dma_start3A_443 = tpu.memref_slice %arg5[%add3A_436, %dma_start3A_442] : memref<32768x128xf32, #tpu.memory_space<hbm>> -> memref<128x128xf32, #tpu.memory_space<hbm>>
    %dma_start3A_444 = arith.constant 0 : i32
    %dma_start3A_445 = arith.constant 0 : i32
    %dma_start3A_446 = tpu.memref_slice %arg9[%dma_start3A_444, %dma_start3A_445] : memref<128x128xf32, #tpu.memory_space<vmem>> -> memref<128x128xf32, #tpu.memory_space<vmem>>
    tpu.enqueue_dma source(%dma_start3A_446 : memref<128x128xf32, #tpu.memory_space<vmem>>) target(%dma_start3A_443 : memref<128x128xf32, #tpu.memory_space<hbm>>) target_semaphore(%arg24 : memref<!tpu.dma_semaphore, #tpu.memory_space<semaphore_mem>>)
    %dma_start3A_447 = arith.constant 0 : i32
    %dma_start3A_448 = arith.constant 0 : i32
    %dma_start3A_449 = tpu.memref_slice %arg12[%dma_start3A_447, %dma_start3A_448] : memref<128x128xf32, #tpu.memory_space<vmem>> -> memref<128x128xf32, #tpu.memory_space<vmem>>
    %dma_start3A_450 = arith.constant 0 : i32
    %dma_start3A_451 = tpu.memref_slice %arg6[%add3A_436, %dma_start3A_450] : memref<32768x128xf32, #tpu.memory_space<hbm>> -> memref<128x128xf32, #tpu.memory_space<hbm>>
    %dma_start3A_452 = arith.constant 0 : i32
    %dma_start3A_453 = tpu.memref_slice %arg6[%add3A_436, %dma_start3A_452] : memref<32768x128xf32, #tpu.memory_space<hbm>> -> memref<128x128xf32, #tpu.memory_space<hbm>>
    %dma_start3A_454 = arith.constant 0 : i32
    %dma_start3A_455 = arith.constant 0 : i32
    %dma_start3A_456 = tpu.memref_slice %arg12[%dma_start3A_454, %dma_start3A_455] : memref<128x128xf32, #tpu.memory_space<vmem>> -> memref<128x128xf32, #tpu.memory_space<vmem>>
    tpu.enqueue_dma source(%dma_start3A_456 : memref<128x128xf32, #tpu.memory_space<vmem>>) target(%dma_start3A_453 : memref<128x128xf32, #tpu.memory_space<hbm>>) target_semaphore(%arg25 : memref<!tpu.dma_semaphore, #tpu.memory_space<semaphore_mem>>)
    %dma_wait3A_457 = arith.constant 0 : i32
    %dma_wait3A_458 = arith.constant 0 : i32
    %dma_wait3A_459 = tpu.memref_slice %arg9[%dma_wait3A_457, %dma_wait3A_458] : memref<128x128xf32, #tpu.memory_space<vmem>> -> memref<128x128xf32, #tpu.memory_space<vmem>>
    %dma_wait3A_460 = arith.constant 0 : i32
    %dma_wait3A_461 = tpu.memref_slice %arg5[%add3A_436, %dma_wait3A_460] : memref<32768x128xf32, #tpu.memory_space<hbm>> -> memref<128x128xf32, #tpu.memory_space<hbm>>
    %dma_wait3A_462 = arith.constant 0 : i32
    %dma_wait3A_463 = tpu.memref_slice %arg5[%add3A_436, %dma_wait3A_462] : memref<32768x128xf32, #tpu.memory_space<hbm>> -> memref<128x128xf32, #tpu.memory_space<hbm>>
    %dma_wait3A_464 = arith.constant 0 : i32
    %dma_wait3A_465 = arith.constant 0 : i32
    %dma_wait3A_466 = tpu.memref_slice %arg9[%dma_wait3A_464, %dma_wait3A_465] : memref<128x128xf32, #tpu.memory_space<vmem>> -> memref<128x128xf32, #tpu.memory_space<vmem>>
    tpu.wait_dma2 semaphore(%arg24 : memref<!tpu.dma_semaphore, #tpu.memory_space<semaphore_mem>>) src(%dma_wait3A_466 : memref<128x128xf32, #tpu.memory_space<vmem>>) dst(%dma_wait3A_463 : memref<128x128xf32, #tpu.memory_space<hbm>>)
    %dma_wait3A_467 = arith.constant 0 : i32
    %dma_wait3A_468 = arith.constant 0 : i32
    %dma_wait3A_469 = tpu.memref_slice %arg12[%dma_wait3A_467, %dma_wait3A_468] : memref<128x128xf32, #tpu.memory_space<vmem>> -> memref<128x128xf32, #tpu.memory_space<vmem>>
    %dma_wait3A_470 = arith.constant 0 : i32
    %dma_wait3A_471 = tpu.memref_slice %arg6[%add3A_436, %dma_wait3A_470] : memref<32768x128xf32, #tpu.memory_space<hbm>> -> memref<128x128xf32, #tpu.memory_space<hbm>>
    %dma_wait3A_472 = arith.constant 0 : i32
    %dma_wait3A_473 = tpu.memref_slice %arg6[%add3A_436, %dma_wait3A_472] : memref<32768x128xf32, #tpu.memory_space<hbm>> -> memref<128x128xf32, #tpu.memory_space<hbm>>
    %dma_wait3A_474 = arith.constant 0 : i32
    %dma_wait3A_475 = arith.constant 0 : i32
    %dma_wait3A_476 = tpu.memref_slice %arg12[%dma_wait3A_474, %dma_wait3A_475] : memref<128x128xf32, #tpu.memory_space<vmem>> -> memref<128x128xf32, #tpu.memory_space<vmem>>
    tpu.wait_dma2 semaphore(%arg25 : memref<!tpu.dma_semaphore, #tpu.memory_space<semaphore_mem>>) src(%dma_wait3A_476 : memref<128x128xf32, #tpu.memory_space<vmem>>) dst(%dma_wait3A_473 : memref<128x128xf32, #tpu.memory_space<hbm>>)
    %dma_start3A_477 = arith.constant 0 : i32
    %dma_start3A_478 = arith.constant 0 : i32
    %dma_start3A_479 = tpu.memref_slice %arg9[%dma_start3A_477, %dma_start3A_478] : memref<128x128xf32, #tpu.memory_space<vmem>> -> memref<128x128xf32, #tpu.memory_space<vmem>>
    %dma_start3A_480 = arith.constant 832 : i32
    %dma_start3A_481 = tpu.memref_slice %arg7[%dma_start3A_480] : memref<1024xi32, #tpu.memory_space<vmem>> -> memref<128xi32, #tpu.memory_space<vmem>>
    %dma_start3A_482 = arith.constant 0 : i32
    %dma_start3A_483 = arith.constant 0 : i32
    %dma_start3A_484 = tpu.memref_slice %arg3[%dma_start3A_482, %dma_start3A_483] : memref<8192x128xf32, #tpu.memory_space<hbm>> -> memref<8192x128xf32, #tpu.memory_space<hbm>>
    tpu.enqueue_indirect_dma source(%dma_start3A_484 : memref<8192x128xf32, #tpu.memory_space<hbm>>) target(%dma_start3A_479 : memref<128x128xf32, #tpu.memory_space<vmem>>) offsets(%dma_start3A_481 : memref<128xi32, #tpu.memory_space<vmem>>) semaphore(%arg18 : memref<!tpu.dma_semaphore, #tpu.memory_space<semaphore_mem>>)
    %dma_start3A_485 = arith.constant 0 : i32
    %dma_start3A_486 = arith.constant 0 : i32
    %dma_start3A_487 = tpu.memref_slice %arg12[%dma_start3A_485, %dma_start3A_486] : memref<128x128xf32, #tpu.memory_space<vmem>> -> memref<128x128xf32, #tpu.memory_space<vmem>>
    %dma_start3A_488 = arith.constant 832 : i32
    %dma_start3A_489 = tpu.memref_slice %arg7[%dma_start3A_488] : memref<1024xi32, #tpu.memory_space<vmem>> -> memref<128xi32, #tpu.memory_space<vmem>>
    %dma_start3A_490 = arith.constant 0 : i32
    %dma_start3A_491 = arith.constant 0 : i32
    %dma_start3A_492 = tpu.memref_slice %arg4[%dma_start3A_490, %dma_start3A_491] : memref<8192x128xf32, #tpu.memory_space<hbm>> -> memref<8192x128xf32, #tpu.memory_space<hbm>>
    tpu.enqueue_indirect_dma source(%dma_start3A_492 : memref<8192x128xf32, #tpu.memory_space<hbm>>) target(%dma_start3A_487 : memref<128x128xf32, #tpu.memory_space<vmem>>) offsets(%dma_start3A_489 : memref<128xi32, #tpu.memory_space<vmem>>) semaphore(%arg19 : memref<!tpu.dma_semaphore, #tpu.memory_space<semaphore_mem>>)
    %dma_wait3A_493 = arith.constant 0 : i32
    %dma_wait3A_494 = arith.constant 0 : i32
    %dma_wait3A_495 = tpu.memref_slice %arg10[%dma_wait3A_493, %dma_wait3A_494] : memref<128x128xf32, #tpu.memory_space<vmem>> -> memref<128x128xf32, #tpu.memory_space<vmem>>
    %dma_wait3A_496 = arith.constant 576 : i32
    %dma_wait3A_497 = tpu.memref_slice %arg7[%dma_wait3A_496] : memref<1024xi32, #tpu.memory_space<vmem>> -> memref<128xi32, #tpu.memory_space<vmem>>
    %dma_wait3A_498 = arith.constant 0 : i32
    %dma_wait3A_499 = arith.constant 0 : i32
    %dma_wait3A_500 = tpu.memref_slice %arg3[%dma_wait3A_498, %dma_wait3A_499] : memref<8192x128xf32, #tpu.memory_space<hbm>> -> memref<8192x128xf32, #tpu.memory_space<hbm>>
    tpu.wait_indirect_dma semaphore(%arg20 : memref<!tpu.dma_semaphore, #tpu.memory_space<semaphore_mem>>) src(%dma_wait3A_500 : memref<8192x128xf32, #tpu.memory_space<hbm>>) dst(%dma_wait3A_495 : memref<128x128xf32, #tpu.memory_space<vmem>>)
    %dma_wait3A_501 = arith.constant 0 : i32
    %dma_wait3A_502 = arith.constant 0 : i32
    %dma_wait3A_503 = tpu.memref_slice %arg13[%dma_wait3A_501, %dma_wait3A_502] : memref<128x128xf32, #tpu.memory_space<vmem>> -> memref<128x128xf32, #tpu.memory_space<vmem>>
    %dma_wait3A_504 = arith.constant 576 : i32
    %dma_wait3A_505 = tpu.memref_slice %arg7[%dma_wait3A_504] : memref<1024xi32, #tpu.memory_space<vmem>> -> memref<128xi32, #tpu.memory_space<vmem>>
    %dma_wait3A_506 = arith.constant 0 : i32
    %dma_wait3A_507 = arith.constant 0 : i32
    %dma_wait3A_508 = tpu.memref_slice %arg4[%dma_wait3A_506, %dma_wait3A_507] : memref<8192x128xf32, #tpu.memory_space<hbm>> -> memref<8192x128xf32, #tpu.memory_space<hbm>>
    tpu.wait_indirect_dma semaphore(%arg21 : memref<!tpu.dma_semaphore, #tpu.memory_space<semaphore_mem>>) src(%dma_wait3A_508 : memref<8192x128xf32, #tpu.memory_space<hbm>>) dst(%dma_wait3A_503 : memref<128x128xf32, #tpu.memory_space<vmem>>)
    %mul3A_509 = arith.constant 1024 : i32
    %mul3A_510 = arith.muli %add3A, %mul3A_509 : i32
    %add3A_511 = arith.constant 576 : i32
    %add3A_512 = arith.addi %mul3A_510, %add3A_511 : i32
    %dma_start3A_513 = arith.constant 0 : i32
    %dma_start3A_514 = arith.constant 0 : i32
    %dma_start3A_515 = tpu.memref_slice %arg10[%dma_start3A_513, %dma_start3A_514] : memref<128x128xf32, #tpu.memory_space<vmem>> -> memref<128x128xf32, #tpu.memory_space<vmem>>
    %dma_start3A_516 = arith.constant 0 : i32
    %dma_start3A_517 = tpu.memref_slice %arg5[%add3A_512, %dma_start3A_516] : memref<32768x128xf32, #tpu.memory_space<hbm>> -> memref<128x128xf32, #tpu.memory_space<hbm>>
    %dma_start3A_518 = arith.constant 0 : i32
    %dma_start3A_519 = tpu.memref_slice %arg5[%add3A_512, %dma_start3A_518] : memref<32768x128xf32, #tpu.memory_space<hbm>> -> memref<128x128xf32, #tpu.memory_space<hbm>>
    %dma_start3A_520 = arith.constant 0 : i32
    %dma_start3A_521 = arith.constant 0 : i32
    %dma_start3A_522 = tpu.memref_slice %arg10[%dma_start3A_520, %dma_start3A_521] : memref<128x128xf32, #tpu.memory_space<vmem>> -> memref<128x128xf32, #tpu.memory_space<vmem>>
    tpu.enqueue_dma source(%dma_start3A_522 : memref<128x128xf32, #tpu.memory_space<vmem>>) target(%dma_start3A_519 : memref<128x128xf32, #tpu.memory_space<hbm>>) target_semaphore(%arg26 : memref<!tpu.dma_semaphore, #tpu.memory_space<semaphore_mem>>)
    %dma_start3A_523 = arith.constant 0 : i32
    %dma_start3A_524 = arith.constant 0 : i32
    %dma_start3A_525 = tpu.memref_slice %arg13[%dma_start3A_523, %dma_start3A_524] : memref<128x128xf32, #tpu.memory_space<vmem>> -> memref<128x128xf32, #tpu.memory_space<vmem>>
    %dma_start3A_526 = arith.constant 0 : i32
    %dma_start3A_527 = tpu.memref_slice %arg6[%add3A_512, %dma_start3A_526] : memref<32768x128xf32, #tpu.memory_space<hbm>> -> memref<128x128xf32, #tpu.memory_space<hbm>>
    %dma_start3A_528 = arith.constant 0 : i32
    %dma_start3A_529 = tpu.memref_slice %arg6[%add3A_512, %dma_start3A_528] : memref<32768x128xf32, #tpu.memory_space<hbm>> -> memref<128x128xf32, #tpu.memory_space<hbm>>
    %dma_start3A_530 = arith.constant 0 : i32
    %dma_start3A_531 = arith.constant 0 : i32
    %dma_start3A_532 = tpu.memref_slice %arg13[%dma_start3A_530, %dma_start3A_531] : memref<128x128xf32, #tpu.memory_space<vmem>> -> memref<128x128xf32, #tpu.memory_space<vmem>>
    tpu.enqueue_dma source(%dma_start3A_532 : memref<128x128xf32, #tpu.memory_space<vmem>>) target(%dma_start3A_529 : memref<128x128xf32, #tpu.memory_space<hbm>>) target_semaphore(%arg27 : memref<!tpu.dma_semaphore, #tpu.memory_space<semaphore_mem>>)
    %dma_wait3A_533 = arith.constant 0 : i32
    %dma_wait3A_534 = arith.constant 0 : i32
    %dma_wait3A_535 = tpu.memref_slice %arg10[%dma_wait3A_533, %dma_wait3A_534] : memref<128x128xf32, #tpu.memory_space<vmem>> -> memref<128x128xf32, #tpu.memory_space<vmem>>
    %dma_wait3A_536 = arith.constant 0 : i32
    %dma_wait3A_537 = tpu.memref_slice %arg5[%add3A_512, %dma_wait3A_536] : memref<32768x128xf32, #tpu.memory_space<hbm>> -> memref<128x128xf32, #tpu.memory_space<hbm>>
    %dma_wait3A_538 = arith.constant 0 : i32
    %dma_wait3A_539 = tpu.memref_slice %arg5[%add3A_512, %dma_wait3A_538] : memref<32768x128xf32, #tpu.memory_space<hbm>> -> memref<128x128xf32, #tpu.memory_space<hbm>>
    %dma_wait3A_540 = arith.constant 0 : i32
    %dma_wait3A_541 = arith.constant 0 : i32
    %dma_wait3A_542 = tpu.memref_slice %arg10[%dma_wait3A_540, %dma_wait3A_541] : memref<128x128xf32, #tpu.memory_space<vmem>> -> memref<128x128xf32, #tpu.memory_space<vmem>>
    tpu.wait_dma2 semaphore(%arg26 : memref<!tpu.dma_semaphore, #tpu.memory_space<semaphore_mem>>) src(%dma_wait3A_542 : memref<128x128xf32, #tpu.memory_space<vmem>>) dst(%dma_wait3A_539 : memref<128x128xf32, #tpu.memory_space<hbm>>)
    %dma_wait3A_543 = arith.constant 0 : i32
    %dma_wait3A_544 = arith.constant 0 : i32
    %dma_wait3A_545 = tpu.memref_slice %arg13[%dma_wait3A_543, %dma_wait3A_544] : memref<128x128xf32, #tpu.memory_space<vmem>> -> memref<128x128xf32, #tpu.memory_space<vmem>>
    %dma_wait3A_546 = arith.constant 0 : i32
    %dma_wait3A_547 = tpu.memref_slice %arg6[%add3A_512, %dma_wait3A_546] : memref<32768x128xf32, #tpu.memory_space<hbm>> -> memref<128x128xf32, #tpu.memory_space<hbm>>
    %dma_wait3A_548 = arith.constant 0 : i32
    %dma_wait3A_549 = tpu.memref_slice %arg6[%add3A_512, %dma_wait3A_548] : memref<32768x128xf32, #tpu.memory_space<hbm>> -> memref<128x128xf32, #tpu.memory_space<hbm>>
    %dma_wait3A_550 = arith.constant 0 : i32
    %dma_wait3A_551 = arith.constant 0 : i32
    %dma_wait3A_552 = tpu.memref_slice %arg13[%dma_wait3A_550, %dma_wait3A_551] : memref<128x128xf32, #tpu.memory_space<vmem>> -> memref<128x128xf32, #tpu.memory_space<vmem>>
    tpu.wait_dma2 semaphore(%arg27 : memref<!tpu.dma_semaphore, #tpu.memory_space<semaphore_mem>>) src(%dma_wait3A_552 : memref<128x128xf32, #tpu.memory_space<vmem>>) dst(%dma_wait3A_549 : memref<128x128xf32, #tpu.memory_space<hbm>>)
    %dma_start3A_553 = arith.constant 0 : i32
    %dma_start3A_554 = arith.constant 0 : i32
    %dma_start3A_555 = tpu.memref_slice %arg10[%dma_start3A_553, %dma_start3A_554] : memref<128x128xf32, #tpu.memory_space<vmem>> -> memref<64x128xf32, #tpu.memory_space<vmem>>
    %dma_start3A_556 = arith.constant 960 : i32
    %dma_start3A_557 = tpu.memref_slice %arg7[%dma_start3A_556] : memref<1024xi32, #tpu.memory_space<vmem>> -> memref<64xi32, #tpu.memory_space<vmem>>
    %dma_start3A_558 = arith.constant 0 : i32
    %dma_start3A_559 = arith.constant 0 : i32
    %dma_start3A_560 = tpu.memref_slice %arg3[%dma_start3A_558, %dma_start3A_559] : memref<8192x128xf32, #tpu.memory_space<hbm>> -> memref<8192x128xf32, #tpu.memory_space<hbm>>
    tpu.enqueue_indirect_dma source(%dma_start3A_560 : memref<8192x128xf32, #tpu.memory_space<hbm>>) target(%dma_start3A_555 : memref<64x128xf32, #tpu.memory_space<vmem>>) offsets(%dma_start3A_557 : memref<64xi32, #tpu.memory_space<vmem>>) semaphore(%arg20 : memref<!tpu.dma_semaphore, #tpu.memory_space<semaphore_mem>>)
    %dma_start3A_561 = arith.constant 0 : i32
    %dma_start3A_562 = arith.constant 0 : i32
    %dma_start3A_563 = tpu.memref_slice %arg13[%dma_start3A_561, %dma_start3A_562] : memref<128x128xf32, #tpu.memory_space<vmem>> -> memref<64x128xf32, #tpu.memory_space<vmem>>
    %dma_start3A_564 = arith.constant 960 : i32
    %dma_start3A_565 = tpu.memref_slice %arg7[%dma_start3A_564] : memref<1024xi32, #tpu.memory_space<vmem>> -> memref<64xi32, #tpu.memory_space<vmem>>
    %dma_start3A_566 = arith.constant 0 : i32
    %dma_start3A_567 = arith.constant 0 : i32
    %dma_start3A_568 = tpu.memref_slice %arg4[%dma_start3A_566, %dma_start3A_567] : memref<8192x128xf32, #tpu.memory_space<hbm>> -> memref<8192x128xf32, #tpu.memory_space<hbm>>
    tpu.enqueue_indirect_dma source(%dma_start3A_568 : memref<8192x128xf32, #tpu.memory_space<hbm>>) target(%dma_start3A_563 : memref<64x128xf32, #tpu.memory_space<vmem>>) offsets(%dma_start3A_565 : memref<64xi32, #tpu.memory_space<vmem>>) semaphore(%arg21 : memref<!tpu.dma_semaphore, #tpu.memory_space<semaphore_mem>>)
    %dma_wait3A_569 = arith.constant 0 : i32
    %dma_wait3A_570 = arith.constant 0 : i32
    %dma_wait3A_571 = tpu.memref_slice %arg8[%dma_wait3A_569, %dma_wait3A_570] : memref<128x128xf32, #tpu.memory_space<vmem>> -> memref<128x128xf32, #tpu.memory_space<vmem>>
    %dma_wait3A_572 = arith.constant 704 : i32
    %dma_wait3A_573 = tpu.memref_slice %arg7[%dma_wait3A_572] : memref<1024xi32, #tpu.memory_space<vmem>> -> memref<128xi32, #tpu.memory_space<vmem>>
    %dma_wait3A_574 = arith.constant 0 : i32
    %dma_wait3A_575 = arith.constant 0 : i32
    %dma_wait3A_576 = tpu.memref_slice %arg3[%dma_wait3A_574, %dma_wait3A_575] : memref<8192x128xf32, #tpu.memory_space<hbm>> -> memref<8192x128xf32, #tpu.memory_space<hbm>>
    tpu.wait_indirect_dma semaphore(%arg16 : memref<!tpu.dma_semaphore, #tpu.memory_space<semaphore_mem>>) src(%dma_wait3A_576 : memref<8192x128xf32, #tpu.memory_space<hbm>>) dst(%dma_wait3A_571 : memref<128x128xf32, #tpu.memory_space<vmem>>)
    %dma_wait3A_577 = arith.constant 0 : i32
    %dma_wait3A_578 = arith.constant 0 : i32
    %dma_wait3A_579 = tpu.memref_slice %arg11[%dma_wait3A_577, %dma_wait3A_578] : memref<128x128xf32, #tpu.memory_space<vmem>> -> memref<128x128xf32, #tpu.memory_space<vmem>>
    %dma_wait3A_580 = arith.constant 704 : i32
    %dma_wait3A_581 = tpu.memref_slice %arg7[%dma_wait3A_580] : memref<1024xi32, #tpu.memory_space<vmem>> -> memref<128xi32, #tpu.memory_space<vmem>>
    %dma_wait3A_582 = arith.constant 0 : i32
    %dma_wait3A_583 = arith.constant 0 : i32
    %dma_wait3A_584 = tpu.memref_slice %arg4[%dma_wait3A_582, %dma_wait3A_583] : memref<8192x128xf32, #tpu.memory_space<hbm>> -> memref<8192x128xf32, #tpu.memory_space<hbm>>
    tpu.wait_indirect_dma semaphore(%arg17 : memref<!tpu.dma_semaphore, #tpu.memory_space<semaphore_mem>>) src(%dma_wait3A_584 : memref<8192x128xf32, #tpu.memory_space<hbm>>) dst(%dma_wait3A_579 : memref<128x128xf32, #tpu.memory_space<vmem>>)
    %mul3A_585 = arith.constant 1024 : i32
    %mul3A_586 = arith.muli %add3A, %mul3A_585 : i32
    %add3A_587 = arith.constant 704 : i32
    %add3A_588 = arith.addi %mul3A_586, %add3A_587 : i32
    %dma_start3A_589 = arith.constant 0 : i32
    %dma_start3A_590 = arith.constant 0 : i32
    %dma_start3A_591 = tpu.memref_slice %arg8[%dma_start3A_589, %dma_start3A_590] : memref<128x128xf32, #tpu.memory_space<vmem>> -> memref<128x128xf32, #tpu.memory_space<vmem>>
    %dma_start3A_592 = arith.constant 0 : i32
    %dma_start3A_593 = tpu.memref_slice %arg5[%add3A_588, %dma_start3A_592] : memref<32768x128xf32, #tpu.memory_space<hbm>> -> memref<128x128xf32, #tpu.memory_space<hbm>>
    %dma_start3A_594 = arith.constant 0 : i32
    %dma_start3A_595 = tpu.memref_slice %arg5[%add3A_588, %dma_start3A_594] : memref<32768x128xf32, #tpu.memory_space<hbm>> -> memref<128x128xf32, #tpu.memory_space<hbm>>
    %dma_start3A_596 = arith.constant 0 : i32
    %dma_start3A_597 = arith.constant 0 : i32
    %dma_start3A_598 = tpu.memref_slice %arg8[%dma_start3A_596, %dma_start3A_597] : memref<128x128xf32, #tpu.memory_space<vmem>> -> memref<128x128xf32, #tpu.memory_space<vmem>>
    tpu.enqueue_dma source(%dma_start3A_598 : memref<128x128xf32, #tpu.memory_space<vmem>>) target(%dma_start3A_595 : memref<128x128xf32, #tpu.memory_space<hbm>>) target_semaphore(%arg22 : memref<!tpu.dma_semaphore, #tpu.memory_space<semaphore_mem>>)
    %dma_start3A_599 = arith.constant 0 : i32
    %dma_start3A_600 = arith.constant 0 : i32
    %dma_start3A_601 = tpu.memref_slice %arg11[%dma_start3A_599, %dma_start3A_600] : memref<128x128xf32, #tpu.memory_space<vmem>> -> memref<128x128xf32, #tpu.memory_space<vmem>>
    %dma_start3A_602 = arith.constant 0 : i32
    %dma_start3A_603 = tpu.memref_slice %arg6[%add3A_588, %dma_start3A_602] : memref<32768x128xf32, #tpu.memory_space<hbm>> -> memref<128x128xf32, #tpu.memory_space<hbm>>
    %dma_start3A_604 = arith.constant 0 : i32
    %dma_start3A_605 = tpu.memref_slice %arg6[%add3A_588, %dma_start3A_604] : memref<32768x128xf32, #tpu.memory_space<hbm>> -> memref<128x128xf32, #tpu.memory_space<hbm>>
    %dma_start3A_606 = arith.constant 0 : i32
    %dma_start3A_607 = arith.constant 0 : i32
    %dma_start3A_608 = tpu.memref_slice %arg11[%dma_start3A_606, %dma_start3A_607] : memref<128x128xf32, #tpu.memory_space<vmem>> -> memref<128x128xf32, #tpu.memory_space<vmem>>
    tpu.enqueue_dma source(%dma_start3A_608 : memref<128x128xf32, #tpu.memory_space<vmem>>) target(%dma_start3A_605 : memref<128x128xf32, #tpu.memory_space<hbm>>) target_semaphore(%arg23 : memref<!tpu.dma_semaphore, #tpu.memory_space<semaphore_mem>>)
    %dma_wait3A_609 = arith.constant 0 : i32
    %dma_wait3A_610 = arith.constant 0 : i32
    %dma_wait3A_611 = tpu.memref_slice %arg9[%dma_wait3A_609, %dma_wait3A_610] : memref<128x128xf32, #tpu.memory_space<vmem>> -> memref<128x128xf32, #tpu.memory_space<vmem>>
    %dma_wait3A_612 = arith.constant 832 : i32
    %dma_wait3A_613 = tpu.memref_slice %arg7[%dma_wait3A_612] : memref<1024xi32, #tpu.memory_space<vmem>> -> memref<128xi32, #tpu.memory_space<vmem>>
    %dma_wait3A_614 = arith.constant 0 : i32
    %dma_wait3A_615 = arith.constant 0 : i32
    %dma_wait3A_616 = tpu.memref_slice %arg3[%dma_wait3A_614, %dma_wait3A_615] : memref<8192x128xf32, #tpu.memory_space<hbm>> -> memref<8192x128xf32, #tpu.memory_space<hbm>>
    tpu.wait_indirect_dma semaphore(%arg18 : memref<!tpu.dma_semaphore, #tpu.memory_space<semaphore_mem>>) src(%dma_wait3A_616 : memref<8192x128xf32, #tpu.memory_space<hbm>>) dst(%dma_wait3A_611 : memref<128x128xf32, #tpu.memory_space<vmem>>)
    %dma_wait3A_617 = arith.constant 0 : i32
    %dma_wait3A_618 = arith.constant 0 : i32
    %dma_wait3A_619 = tpu.memref_slice %arg12[%dma_wait3A_617, %dma_wait3A_618] : memref<128x128xf32, #tpu.memory_space<vmem>> -> memref<128x128xf32, #tpu.memory_space<vmem>>
    %dma_wait3A_620 = arith.constant 832 : i32
    %dma_wait3A_621 = tpu.memref_slice %arg7[%dma_wait3A_620] : memref<1024xi32, #tpu.memory_space<vmem>> -> memref<128xi32, #tpu.memory_space<vmem>>
    %dma_wait3A_622 = arith.constant 0 : i32
    %dma_wait3A_623 = arith.constant 0 : i32
    %dma_wait3A_624 = tpu.memref_slice %arg4[%dma_wait3A_622, %dma_wait3A_623] : memref<8192x128xf32, #tpu.memory_space<hbm>> -> memref<8192x128xf32, #tpu.memory_space<hbm>>
    tpu.wait_indirect_dma semaphore(%arg19 : memref<!tpu.dma_semaphore, #tpu.memory_space<semaphore_mem>>) src(%dma_wait3A_624 : memref<8192x128xf32, #tpu.memory_space<hbm>>) dst(%dma_wait3A_619 : memref<128x128xf32, #tpu.memory_space<vmem>>)
    %mul3A_625 = arith.constant 1024 : i32
    %mul3A_626 = arith.muli %add3A, %mul3A_625 : i32
    %add3A_627 = arith.constant 832 : i32
    %add3A_628 = arith.addi %mul3A_626, %add3A_627 : i32
    %dma_start3A_629 = arith.constant 0 : i32
    %dma_start3A_630 = arith.constant 0 : i32
    %dma_start3A_631 = tpu.memref_slice %arg9[%dma_start3A_629, %dma_start3A_630] : memref<128x128xf32, #tpu.memory_space<vmem>> -> memref<128x128xf32, #tpu.memory_space<vmem>>
    %dma_start3A_632 = arith.constant 0 : i32
    %dma_start3A_633 = tpu.memref_slice %arg5[%add3A_628, %dma_start3A_632] : memref<32768x128xf32, #tpu.memory_space<hbm>> -> memref<128x128xf32, #tpu.memory_space<hbm>>
    %dma_start3A_634 = arith.constant 0 : i32
    %dma_start3A_635 = tpu.memref_slice %arg5[%add3A_628, %dma_start3A_634] : memref<32768x128xf32, #tpu.memory_space<hbm>> -> memref<128x128xf32, #tpu.memory_space<hbm>>
    %dma_start3A_636 = arith.constant 0 : i32
    %dma_start3A_637 = arith.constant 0 : i32
    %dma_start3A_638 = tpu.memref_slice %arg9[%dma_start3A_636, %dma_start3A_637] : memref<128x128xf32, #tpu.memory_space<vmem>> -> memref<128x128xf32, #tpu.memory_space<vmem>>
    tpu.enqueue_dma source(%dma_start3A_638 : memref<128x128xf32, #tpu.memory_space<vmem>>) target(%dma_start3A_635 : memref<128x128xf32, #tpu.memory_space<hbm>>) target_semaphore(%arg24 : memref<!tpu.dma_semaphore, #tpu.memory_space<semaphore_mem>>)
    %dma_start3A_639 = arith.constant 0 : i32
    %dma_start3A_640 = arith.constant 0 : i32
    %dma_start3A_641 = tpu.memref_slice %arg12[%dma_start3A_639, %dma_start3A_640] : memref<128x128xf32, #tpu.memory_space<vmem>> -> memref<128x128xf32, #tpu.memory_space<vmem>>
    %dma_start3A_642 = arith.constant 0 : i32
    %dma_start3A_643 = tpu.memref_slice %arg6[%add3A_628, %dma_start3A_642] : memref<32768x128xf32, #tpu.memory_space<hbm>> -> memref<128x128xf32, #tpu.memory_space<hbm>>
    %dma_start3A_644 = arith.constant 0 : i32
    %dma_start3A_645 = tpu.memref_slice %arg6[%add3A_628, %dma_start3A_644] : memref<32768x128xf32, #tpu.memory_space<hbm>> -> memref<128x128xf32, #tpu.memory_space<hbm>>
    %dma_start3A_646 = arith.constant 0 : i32
    %dma_start3A_647 = arith.constant 0 : i32
    %dma_start3A_648 = tpu.memref_slice %arg12[%dma_start3A_646, %dma_start3A_647] : memref<128x128xf32, #tpu.memory_space<vmem>> -> memref<128x128xf32, #tpu.memory_space<vmem>>
    tpu.enqueue_dma source(%dma_start3A_648 : memref<128x128xf32, #tpu.memory_space<vmem>>) target(%dma_start3A_645 : memref<128x128xf32, #tpu.memory_space<hbm>>) target_semaphore(%arg25 : memref<!tpu.dma_semaphore, #tpu.memory_space<semaphore_mem>>)
    %dma_wait3A_649 = arith.constant 0 : i32
    %dma_wait3A_650 = arith.constant 0 : i32
    %dma_wait3A_651 = tpu.memref_slice %arg10[%dma_wait3A_649, %dma_wait3A_650] : memref<128x128xf32, #tpu.memory_space<vmem>> -> memref<64x128xf32, #tpu.memory_space<vmem>>
    %dma_wait3A_652 = arith.constant 960 : i32
    %dma_wait3A_653 = tpu.memref_slice %arg7[%dma_wait3A_652] : memref<1024xi32, #tpu.memory_space<vmem>> -> memref<64xi32, #tpu.memory_space<vmem>>
    %dma_wait3A_654 = arith.constant 0 : i32
    %dma_wait3A_655 = arith.constant 0 : i32
    %dma_wait3A_656 = tpu.memref_slice %arg3[%dma_wait3A_654, %dma_wait3A_655] : memref<8192x128xf32, #tpu.memory_space<hbm>> -> memref<8192x128xf32, #tpu.memory_space<hbm>>
    tpu.wait_indirect_dma semaphore(%arg20 : memref<!tpu.dma_semaphore, #tpu.memory_space<semaphore_mem>>) src(%dma_wait3A_656 : memref<8192x128xf32, #tpu.memory_space<hbm>>) dst(%dma_wait3A_651 : memref<64x128xf32, #tpu.memory_space<vmem>>)
    %dma_wait3A_657 = arith.constant 0 : i32
    %dma_wait3A_658 = arith.constant 0 : i32
    %dma_wait3A_659 = tpu.memref_slice %arg13[%dma_wait3A_657, %dma_wait3A_658] : memref<128x128xf32, #tpu.memory_space<vmem>> -> memref<64x128xf32, #tpu.memory_space<vmem>>
    %dma_wait3A_660 = arith.constant 960 : i32
    %dma_wait3A_661 = tpu.memref_slice %arg7[%dma_wait3A_660] : memref<1024xi32, #tpu.memory_space<vmem>> -> memref<64xi32, #tpu.memory_space<vmem>>
    %dma_wait3A_662 = arith.constant 0 : i32
    %dma_wait3A_663 = arith.constant 0 : i32
    %dma_wait3A_664 = tpu.memref_slice %arg4[%dma_wait3A_662, %dma_wait3A_663] : memref<8192x128xf32, #tpu.memory_space<hbm>> -> memref<8192x128xf32, #tpu.memory_space<hbm>>
    tpu.wait_indirect_dma semaphore(%arg21 : memref<!tpu.dma_semaphore, #tpu.memory_space<semaphore_mem>>) src(%dma_wait3A_664 : memref<8192x128xf32, #tpu.memory_space<hbm>>) dst(%dma_wait3A_659 : memref<64x128xf32, #tpu.memory_space<vmem>>)
    %mul3A_665 = arith.constant 1024 : i32
    %mul3A_666 = arith.muli %add3A, %mul3A_665 : i32
    %add3A_667 = arith.constant 960 : i32
    %add3A_668 = arith.addi %mul3A_666, %add3A_667 : i32
    %dma_start3A_669 = arith.constant 0 : i32
    %dma_start3A_670 = arith.constant 0 : i32
    %dma_start3A_671 = tpu.memref_slice %arg10[%dma_start3A_669, %dma_start3A_670] : memref<128x128xf32, #tpu.memory_space<vmem>> -> memref<64x128xf32, #tpu.memory_space<vmem>>
    %dma_start3A_672 = arith.constant 0 : i32
    %dma_start3A_673 = tpu.memref_slice %arg5[%add3A_668, %dma_start3A_672] : memref<32768x128xf32, #tpu.memory_space<hbm>> -> memref<64x128xf32, #tpu.memory_space<hbm>>
    %dma_start3A_674 = arith.constant 0 : i32
    %dma_start3A_675 = tpu.memref_slice %arg5[%add3A_668, %dma_start3A_674] : memref<32768x128xf32, #tpu.memory_space<hbm>> -> memref<64x128xf32, #tpu.memory_space<hbm>>
    %dma_start3A_676 = arith.constant 0 : i32
    %dma_start3A_677 = arith.constant 0 : i32
    %dma_start3A_678 = tpu.memref_slice %arg10[%dma_start3A_676, %dma_start3A_677] : memref<128x128xf32, #tpu.memory_space<vmem>> -> memref<64x128xf32, #tpu.memory_space<vmem>>
    tpu.enqueue_dma source(%dma_start3A_678 : memref<64x128xf32, #tpu.memory_space<vmem>>) target(%dma_start3A_675 : memref<64x128xf32, #tpu.memory_space<hbm>>) target_semaphore(%arg26 : memref<!tpu.dma_semaphore, #tpu.memory_space<semaphore_mem>>)
    %dma_start3A_679 = arith.constant 0 : i32
    %dma_start3A_680 = arith.constant 0 : i32
    %dma_start3A_681 = tpu.memref_slice %arg13[%dma_start3A_679, %dma_start3A_680] : memref<128x128xf32, #tpu.memory_space<vmem>> -> memref<64x128xf32, #tpu.memory_space<vmem>>
    %dma_start3A_682 = arith.constant 0 : i32
    %dma_start3A_683 = tpu.memref_slice %arg6[%add3A_668, %dma_start3A_682] : memref<32768x128xf32, #tpu.memory_space<hbm>> -> memref<64x128xf32, #tpu.memory_space<hbm>>
    %dma_start3A_684 = arith.constant 0 : i32
    %dma_start3A_685 = tpu.memref_slice %arg6[%add3A_668, %dma_start3A_684] : memref<32768x128xf32, #tpu.memory_space<hbm>> -> memref<64x128xf32, #tpu.memory_space<hbm>>
    %dma_start3A_686 = arith.constant 0 : i32
    %dma_start3A_687 = arith.constant 0 : i32
    %dma_start3A_688 = tpu.memref_slice %arg13[%dma_start3A_686, %dma_start3A_687] : memref<128x128xf32, #tpu.memory_space<vmem>> -> memref<64x128xf32, #tpu.memory_space<vmem>>
    tpu.enqueue_dma source(%dma_start3A_688 : memref<64x128xf32, #tpu.memory_space<vmem>>) target(%dma_start3A_685 : memref<64x128xf32, #tpu.memory_space<hbm>>) target_semaphore(%arg27 : memref<!tpu.dma_semaphore, #tpu.memory_space<semaphore_mem>>)
    %dma_wait3A_689 = arith.constant 0 : i32
    %dma_wait3A_690 = arith.constant 0 : i32
    %dma_wait3A_691 = tpu.memref_slice %arg8[%dma_wait3A_689, %dma_wait3A_690] : memref<128x128xf32, #tpu.memory_space<vmem>> -> memref<128x128xf32, #tpu.memory_space<vmem>>
    %dma_wait3A_692 = arith.constant 0 : i32
    %dma_wait3A_693 = tpu.memref_slice %arg5[%add3A_588, %dma_wait3A_692] : memref<32768x128xf32, #tpu.memory_space<hbm>> -> memref<128x128xf32, #tpu.memory_space<hbm>>
    %dma_wait3A_694 = arith.constant 0 : i32
    %dma_wait3A_695 = tpu.memref_slice %arg5[%add3A_588, %dma_wait3A_694] : memref<32768x128xf32, #tpu.memory_space<hbm>> -> memref<128x128xf32, #tpu.memory_space<hbm>>
    %dma_wait3A_696 = arith.constant 0 : i32
    %dma_wait3A_697 = arith.constant 0 : i32
    %dma_wait3A_698 = tpu.memref_slice %arg8[%dma_wait3A_696, %dma_wait3A_697] : memref<128x128xf32, #tpu.memory_space<vmem>> -> memref<128x128xf32, #tpu.memory_space<vmem>>
    tpu.wait_dma2 semaphore(%arg22 : memref<!tpu.dma_semaphore, #tpu.memory_space<semaphore_mem>>) src(%dma_wait3A_698 : memref<128x128xf32, #tpu.memory_space<vmem>>) dst(%dma_wait3A_695 : memref<128x128xf32, #tpu.memory_space<hbm>>)
    %dma_wait3A_699 = arith.constant 0 : i32
    %dma_wait3A_700 = arith.constant 0 : i32
    %dma_wait3A_701 = tpu.memref_slice %arg11[%dma_wait3A_699, %dma_wait3A_700] : memref<128x128xf32, #tpu.memory_space<vmem>> -> memref<128x128xf32, #tpu.memory_space<vmem>>
    %dma_wait3A_702 = arith.constant 0 : i32
    %dma_wait3A_703 = tpu.memref_slice %arg6[%add3A_588, %dma_wait3A_702] : memref<32768x128xf32, #tpu.memory_space<hbm>> -> memref<128x128xf32, #tpu.memory_space<hbm>>
    %dma_wait3A_704 = arith.constant 0 : i32
    %dma_wait3A_705 = tpu.memref_slice %arg6[%add3A_588, %dma_wait3A_704] : memref<32768x128xf32, #tpu.memory_space<hbm>> -> memref<128x128xf32, #tpu.memory_space<hbm>>
    %dma_wait3A_706 = arith.constant 0 : i32
    %dma_wait3A_707 = arith.constant 0 : i32
    %dma_wait3A_708 = tpu.memref_slice %arg11[%dma_wait3A_706, %dma_wait3A_707] : memref<128x128xf32, #tpu.memory_space<vmem>> -> memref<128x128xf32, #tpu.memory_space<vmem>>
    tpu.wait_dma2 semaphore(%arg23 : memref<!tpu.dma_semaphore, #tpu.memory_space<semaphore_mem>>) src(%dma_wait3A_708 : memref<128x128xf32, #tpu.memory_space<vmem>>) dst(%dma_wait3A_705 : memref<128x128xf32, #tpu.memory_space<hbm>>)
    %dma_wait3A_709 = arith.constant 0 : i32
    %dma_wait3A_710 = arith.constant 0 : i32
    %dma_wait3A_711 = tpu.memref_slice %arg9[%dma_wait3A_709, %dma_wait3A_710] : memref<128x128xf32, #tpu.memory_space<vmem>> -> memref<128x128xf32, #tpu.memory_space<vmem>>
    %dma_wait3A_712 = arith.constant 0 : i32
    %dma_wait3A_713 = tpu.memref_slice %arg5[%add3A_628, %dma_wait3A_712] : memref<32768x128xf32, #tpu.memory_space<hbm>> -> memref<128x128xf32, #tpu.memory_space<hbm>>
    %dma_wait3A_714 = arith.constant 0 : i32
    %dma_wait3A_715 = tpu.memref_slice %arg5[%add3A_628, %dma_wait3A_714] : memref<32768x128xf32, #tpu.memory_space<hbm>> -> memref<128x128xf32, #tpu.memory_space<hbm>>
    %dma_wait3A_716 = arith.constant 0 : i32
    %dma_wait3A_717 = arith.constant 0 : i32
    %dma_wait3A_718 = tpu.memref_slice %arg9[%dma_wait3A_716, %dma_wait3A_717] : memref<128x128xf32, #tpu.memory_space<vmem>> -> memref<128x128xf32, #tpu.memory_space<vmem>>
    tpu.wait_dma2 semaphore(%arg24 : memref<!tpu.dma_semaphore, #tpu.memory_space<semaphore_mem>>) src(%dma_wait3A_718 : memref<128x128xf32, #tpu.memory_space<vmem>>) dst(%dma_wait3A_715 : memref<128x128xf32, #tpu.memory_space<hbm>>)
    %dma_wait3A_719 = arith.constant 0 : i32
    %dma_wait3A_720 = arith.constant 0 : i32
    %dma_wait3A_721 = tpu.memref_slice %arg12[%dma_wait3A_719, %dma_wait3A_720] : memref<128x128xf32, #tpu.memory_space<vmem>> -> memref<128x128xf32, #tpu.memory_space<vmem>>
    %dma_wait3A_722 = arith.constant 0 : i32
    %dma_wait3A_723 = tpu.memref_slice %arg6[%add3A_628, %dma_wait3A_722] : memref<32768x128xf32, #tpu.memory_space<hbm>> -> memref<128x128xf32, #tpu.memory_space<hbm>>
    %dma_wait3A_724 = arith.constant 0 : i32
    %dma_wait3A_725 = tpu.memref_slice %arg6[%add3A_628, %dma_wait3A_724] : memref<32768x128xf32, #tpu.memory_space<hbm>> -> memref<128x128xf32, #tpu.memory_space<hbm>>
    %dma_wait3A_726 = arith.constant 0 : i32
    %dma_wait3A_727 = arith.constant 0 : i32
    %dma_wait3A_728 = tpu.memref_slice %arg12[%dma_wait3A_726, %dma_wait3A_727] : memref<128x128xf32, #tpu.memory_space<vmem>> -> memref<128x128xf32, #tpu.memory_space<vmem>>
    tpu.wait_dma2 semaphore(%arg25 : memref<!tpu.dma_semaphore, #tpu.memory_space<semaphore_mem>>) src(%dma_wait3A_728 : memref<128x128xf32, #tpu.memory_space<vmem>>) dst(%dma_wait3A_725 : memref<128x128xf32, #tpu.memory_space<hbm>>)
    %dma_wait3A_729 = arith.constant 0 : i32
    %dma_wait3A_730 = arith.constant 0 : i32
    %dma_wait3A_731 = tpu.memref_slice %arg10[%dma_wait3A_729, %dma_wait3A_730] : memref<128x128xf32, #tpu.memory_space<vmem>> -> memref<64x128xf32, #tpu.memory_space<vmem>>
    %dma_wait3A_732 = arith.constant 0 : i32
    %dma_wait3A_733 = tpu.memref_slice %arg5[%add3A_668, %dma_wait3A_732] : memref<32768x128xf32, #tpu.memory_space<hbm>> -> memref<64x128xf32, #tpu.memory_space<hbm>>
    %dma_wait3A_734 = arith.constant 0 : i32
    %dma_wait3A_735 = tpu.memref_slice %arg5[%add3A_668, %dma_wait3A_734] : memref<32768x128xf32, #tpu.memory_space<hbm>> -> memref<64x128xf32, #tpu.memory_space<hbm>>
    %dma_wait3A_736 = arith.constant 0 : i32
    %dma_wait3A_737 = arith.constant 0 : i32
    %dma_wait3A_738 = tpu.memref_slice %arg10[%dma_wait3A_736, %dma_wait3A_737] : memref<128x128xf32, #tpu.memory_space<vmem>> -> memref<64x128xf32, #tpu.memory_space<vmem>>
    tpu.wait_dma2 semaphore(%arg26 : memref<!tpu.dma_semaphore, #tpu.memory_space<semaphore_mem>>) src(%dma_wait3A_738 : memref<64x128xf32, #tpu.memory_space<vmem>>) dst(%dma_wait3A_735 : memref<64x128xf32, #tpu.memory_space<hbm>>)
    %dma_wait3A_739 = arith.constant 0 : i32
    %dma_wait3A_740 = arith.constant 0 : i32
    %dma_wait3A_741 = tpu.memref_slice %arg13[%dma_wait3A_739, %dma_wait3A_740] : memref<128x128xf32, #tpu.memory_space<vmem>> -> memref<64x128xf32, #tpu.memory_space<vmem>>
    %dma_wait3A_742 = arith.constant 0 : i32
    %dma_wait3A_743 = tpu.memref_slice %arg6[%add3A_668, %dma_wait3A_742] : memref<32768x128xf32, #tpu.memory_space<hbm>> -> memref<64x128xf32, #tpu.memory_space<hbm>>
    %dma_wait3A_744 = arith.constant 0 : i32
    %dma_wait3A_745 = tpu.memref_slice %arg6[%add3A_668, %dma_wait3A_744] : memref<32768x128xf32, #tpu.memory_space<hbm>> -> memref<64x128xf32, #tpu.memory_space<hbm>>
    %dma_wait3A_746 = arith.constant 0 : i32
    %dma_wait3A_747 = arith.constant 0 : i32
    %dma_wait3A_748 = tpu.memref_slice %arg13[%dma_wait3A_746, %dma_wait3A_747] : memref<128x128xf32, #tpu.memory_space<vmem>> -> memref<64x128xf32, #tpu.memory_space<vmem>>
    tpu.wait_dma2 semaphore(%arg27 : memref<!tpu.dma_semaphore, #tpu.memory_space<semaphore_mem>>) src(%dma_wait3A_748 : memref<64x128xf32, #tpu.memory_space<vmem>>) dst(%dma_wait3A_745 : memref<64x128xf32, #tpu.memory_space<hbm>>)
    return
  }
}

</mosaic_0001>

<sc_bundles>
// kernel: _rope_gather.3.cloned.1.call-start
scs
__scs_entry_jumppad:
0x0: {  	(pc) =	sbr.rel $0x88, $3  }
0x1: {  	(tag) =	ssettag $0x0;
	lr =	simm.s32 $0x1  }
0x2: {  	[smem:$0x3F9E] =	sst lr;
	_ =	strace $0xD0000000  }
0x3: {  	_ = 	snop  }
0x4: {  	_ = 	snop  }
0x5: {  	_ = 	snop  }
0x6: {  	_ = 	snop  }
0x7: {  	_ = 	snop  }
__scs_overlays_trampoline_lowered:
0x8: {  	[smem:$0x3FAD] =	sst s0  }
0x9: {  	[smem:$0x3FAE] =	sst s1  }
0xa: {  	[smem:$0x3FAF] =	sst s2  }
0xb: {  	[smem:$0x3FB0] =	sst s3  }
0xc: {  	[smem:$0x3FB1] =	sst s4  }
0xd: {  	[smem:$0x3FB2] =	sst s5  }
0xe: {  	[smem:$0x3FB3] =	sst s6  }
0xf: {  	[smem:$0x3FB4] =	sst s7  }
0x10: {  	[smem:$0x3FB5] =	sst s8  }
0x11: {  	[smem:$0x3FB6] =	sst s9;
	s0 =	simm.s32 @!p0 $0x0  }
0x12: {  	s1 =	sld [smem:$0x3F9C];
	s0 =	simm.s32 @p0 $0x1  }
0x13: {  	[smem:$0x3FB7] =	sst s0;
	s0 =	simm.s32 @!p1 $0x0  }
0x14: {  	s2 =	sld [smem:$0x3F9B];
	s0 =	simm.s32 @p1 $0x1  }
0x15: {  	[smem:$0x3FB8] =	sst s0;
	s0 =	simm.s32 @!p2 $0x0  }
0x16: {  	s3 =	sld [smem:$0x3FDB];
	s0 =	simm.s32 @p2 $0x1  }
0x17: {  	s4 =	simm.s32 $0x1BF5;
	[smem:$0x3FBA] =	sst s0  }
0x18: {  	s0 =	sld [smem:$0x3F9D];
	_ =	swait.ge [sflag:s4], $0x0  }
0x19: {  	s7 =	sld [smem:$0x3F9E]  }
0x1a: {  	s8 =	sadd.s32 $0xFFFFE003, lr  }
0x1b: {  	s9 =	sadd.s32 $0xFFFFFEF7, lr;
	s5 =	simm.s32 $0xFFFFFFFF;
	p2 =	slt.u32 s8, $0xFFFFF086  }
0x1c: {  	p1 =	slt.u32 s9, $0xF7A;
	s5 =	simm.s32 @!p2 $0x0  }
0x1d: {  	s5 =	simm.s32 @p1 $0x1;
	p0 =	seq.s32 s7, s2  }
0x1e: {  	s7 =	smul.u32 @!p0 $0xF7A, s2;
	p2 =	seq.s32 @!p0 s5, $0x0  }
0x1f: {  	s9 =	smul.u32 $0xF7A, s1;
	s8 =	simm.s32 @!p0 $0x1BF5;
	p2 =	por !p2, p0  }
0x20: {  	[sflag:s8] =	ssyncset.s32 @!p0 $0xFFFFF086;
	s6 =	sadd.s32 @!p0 s3, s7;
	s7 =	simm.s32 @!p0 $0x108  }
0x21: {  	s3 =	sadd.s32 s3, s9;
	s6 =	sadd.s32 @!p0 $0x88, s6;
	s7 =	simm.s32 @p2 $0x1082  }
0x22: {  	[simem:s7], [sflag:s8] =	dma.local @!p0 [hbm:s6], $0xF7A  }
0x23: {  	s9 =	sor.u32 $0xD0000000, s2;
	s6 =	simm.s32 $0x108;
	_ =	swait.ge @!p0 [sflag:s8], $0x0  }
0x24: {  	s3 =	sadd.s32 $0x88, s3;
	s6 =	simm.s32 @!p1 $0x1082;
	[sflag:s4] =	ssyncset.s32 $0xFFFFF086  }
0x25: {  	[simem:s6], [sflag:s4] =	dma.local [hbm:s3], $0xF7A  }
0x26: {  	[smem:$0x3F9E] =	sst s1;
	(tag) =	ssettag s2;
	_ =	strace s9  }
0x27: {  	s1 =	sld [smem:$0x3FAE]  }
0x28: {  	s2 =	sld [smem:$0x3FAF]  }
0x29: {  	s4 =	sld [smem:$0x3FB1]  }
0x2a: {  	p0 =	seq.s32 s5, $0x0;
	s5 =	sld [smem:$0x3FB2]  }
0x2b: {  	s6 =	sld [smem:$0x3FB3]  }
0x2c: {  	s7 =	sld [smem:$0x3FB4]  }
0x2d: {  	s3 =	simm.s32 $0x108;
	s8 =	sld [smem:$0x3FB5]  }
0x2e: {  	s3 =	simm.s32 @!p0 $0x1082;
	s9 =	sld [smem:$0x3FB6]  }
0x2f: {  	lr =	sadd.s32 s0, s3;
	s0 =	sld [smem:$0x3FAD]  }
0x30: {  	s3 =	sld [smem:$0x3FB0]  }
0x31: {  	[smem:$0x3FB9] =	sst s10  }
0x32: {  	s10 =	sld [smem:$0x3FB7];
	_ =	sdelay $0x3  }
0x33: {  	p0 =	seq.s32 s10, $0x1;
	s10 =	sld [smem:$0x3FB9];
	_ =	sdelay $0x3  }
0x34: {  	[smem:$0x3FB9] =	sst s10  }
0x35: {  	s10 =	sld [smem:$0x3FB8];
	_ =	sdelay $0x3  }
0x36: {  	p1 =	seq.s32 s10, $0x1;
	s10 =	sld [smem:$0x3FB9];
	_ =	sdelay $0x3  }
0x37: {  	[smem:$0x3FB9] =	sst s10  }
0x38: {  	s10 =	sld [smem:$0x3FBA]  }
0x39: {  	_ = 	snop;
	(pc) =	sbr.ind lr, $3  }
0x3a: {  	_ = 	snop  }
0x3b: {  	_ = 	snop  }
0x3c: {  	p2 =	seq.s32 s10, $0x1;
	s10 =	sld [smem:$0x3FB9]  }
0x3d: {  	_ =	shalt  }
0x3e: {  	_ =	shalt  }
0x3f: {  	_ =	shalt  }
0x40: {  	_ =	shalt  }
0x41: {  	_ =	shalt  }
0x42: {  	_ =	shalt  }
0x43: {  	_ =	shalt  }
0x44: {  	_ =	shalt  }
0x45: {  	_ =	shalt  }
0x46: {  	_ =	shalt  }
0x47: {  	_ =	shalt  }
0x48: {  	_ =	shalt  }
0x49: {  	_ =	shalt  }
0x4a: {  	_ =	shalt  }
0x4b: {  	_ =	shalt  }
0x4c: {  	_ =	shalt  }
0x4d: {  	_ =	shalt  }
0x4e: {  	_ =	shalt  }
0x4f: {  	_ =	shalt  }
0x50: {  	_ =	shalt  }
0x51: {  	_ =	shalt  }
0x52: {  	_ =	shalt  }
0x53: {  	_ =	shalt  }
0x54: {  	_ =	shalt  }
0x55: {  	_ =	shalt  }
0x56: {  	_ =	shalt  }
0x57: {  	_ =	shalt  }
0x58: {  	_ =	shalt  }
0x59: {  	_ =	shalt  }
0x5a: {  	_ =	shalt  }
0x5b: {  	_ =	shalt  }
0x5c: {  	_ =	shalt  }
0x5d: {  	_ =	shalt  }
0x5e: {  	_ =	shalt  }
0x5f: {  	_ =	shalt  }
0x60: {  	_ =	shalt  }
0x61: {  	_ =	shalt  }
0x62: {  	_ =	shalt  }
0x63: {  	_ =	shalt  }
0x64: {  	_ =	shalt  }
0x65: {  	_ =	shalt  }
0x66: {  	_ =	shalt  }
0x67: {  	_ =	shalt  }
0x68: {  	_ =	shalt  }
0x69: {  	_ =	shalt  }
0x6a: {  	_ =	shalt  }
0x6b: {  	_ =	shalt  }
0x6c: {  	_ =	shalt  }
0x6d: {  	_ =	shalt  }
0x6e: {  	_ =	shalt  }
0x6f: {  	_ =	shalt  }
0x70: {  	_ =	shalt  }
0x71: {  	_ =	shalt  }
0x72: {  	_ =	shalt  }
0x73: {  	_ =	shalt  }
0x74: {  	_ =	shalt  }
0x75: {  	_ =	shalt  }
0x76: {  	_ =	shalt  }
0x77: {  	_ =	shalt  }
0x78: {  	_ =	shalt  }
0x79: {  	_ =	shalt  }
0x7a: {  	_ =	shalt  }
0x7b: {  	_ =	shalt  }
0x7c: {  	_ =	shalt  }
0x7d: {  	_ =	shalt  }
0x7e: {  	_ =	shalt  }
0x7f: {  	_ =	shalt  }
0x80: {  	_ =	shalt  }
0x81: {  	_ =	shalt  }
0x82: {  	_ =	shalt  }
0x83: {  	_ =	shalt  }
0x84: {  	_ =	shalt  }
0x85: {  	_ =	shalt  }
0x86: {  	_ =	shalt  }
0x87: {  	_ =	shalt  }
.Lfunc_end0:
.L_simem_size_0:
called_computation_lowered:
.L_overlay_start_0:
0x88: {  	s2 =	sld [smem:$0x3FD9]  }
0x89: {  	s3 =	sld [smem:$0x3FFE];
	_ =	sdelay $0x1  }
0x8a: {  	s1 =	srdreg.scid  }
0x8b: {  	s0 =	sand.u32 $0x1, s1  }
0x8c: {  	s15 =	sshll.u32 s0, $0xA;
	s2 =	sadd.s32 s3, s2  }
0x8d: {  	s2 =	sadd.s32 s2, s15  }
0x8e: {  	[smem:$0x3FC5] =	sst s2  }
0x8f: {  	_ = 	snop  }
0x90: {  	s2 =	sld [smem:$0x3FD0]  }
0x91: {  	s16 =	sld [smem:$0x3FC9]  }
0x92: {  	s4 =	sld [smem:$0x3FC8]  }
0x93: {  	s6 =	simm.s32 $0xA;
	s7 =	simm.s32 $0x10;
	s5 =	sld [smem:$0x3FC7]  }
0x94: {  	[smem:s7], [sflag:s6] =	dma.local [hbm:s2], $0x1  }
0x95: {  	_ =	swait.eq [sflag:s6], $0x1  }
0x96: {  	[sflag:s6] =	ssyncset.done $0x0  }
0x97: {  	s17 =	sld [smem:$0x10];
	[sflag:s6] =	ssyncadd.s32 $0xFFFFFFFF  }
0x98: {  	s18 =	sld [smem:$0x11];
	(tm) =	ssettm $0x1  }
0x99: {  	s19 =	sld [smem:$0x3FFB];
	_ =	sdelay $0x3  }
0x9a: {  	_ =	strace s19  }
0x9b: {  	s7 =	sld [smem:$0x3FFC];
	_ =	sdelay $0x3  }
0x9c: {  	_ =	strace s7  }
0x9d: {  	s7 =	sld [smem:$0x3FFD];
	_ =	sdelay $0x3  }
0x9e: {  	_ =	strace s7  }
0x9f: {  	_ =	strace $0x8FFFFFFF  }
0xa0: {  	s20 =	sld [smem:$0x3FDB];
	_ =	sdelay $0x1  }
0xa1: {  	s8 =	simm.s32 $_scs_section_size  }
0xa2: {  	s9 =	simm.s32 $_size__tile_overlayer_lowered;
	s10 =	simm.s32 $_tile_overlayer_lowered  }
0xa3: {  	s23 =	simm.s32 $0x1BFF;
	s22 =	sshll.u32 s10, $0x1;
	s7 =	sadd.s32 s8, s20  }
0xa4: {  	s11 =	simm.s32 $0x0;
	s21 =	sshll.u32 s9, $0x1;
	s9 =	sadd.s32 s22, s7  }
0xa5: {  	[timem:s11], [sflag:s23] =	dma.local [hbm:s9], s21  }
0xa6: {  	_ =	swait.ge [sflag:s23], s21  }
0xa7: {  	s8 =	ssub.s32 $0x0, s21;
	[sflag:s23] =	ssyncset.done $0x0  }
0xa8: {  	[sflag:s23] =	ssyncadd.s32 s8;
	_ =	sdelay $0x1  }
0xa9: {  	s24 =	simm.s32 $0x1B8B  }
0xaa: {  	_ =	swait.ge [sflag:s24], $0x1  }
0xab: {  	[sflag:s24] =	ssyncset.done $0x0  }
0xac: {  	s25 =	simm.s32 $0x1B8E;
	[sflag:s24] =	ssyncadd.s32 $0xFFFFFFFF  }
0xad: {  	s26 =	simm.s32 $execute0_lowered;
	[smem:$0x3FD2] =	sst s25  }
0xae: {  	s8 =	sshll.u32 s26, $0x1;
	_ =	strace $0x80000046;
	[dreg:$0x1] =	wrdreg $0xFFFFFFFF  }
0xaf: {  	s28 =	simm.s32 $_size_execute0_lowered;
	s7 =	sadd.s32 s7, s8;
	[dreg:$0x0] =	wrdreg $0x0  }
0xb0: {  	s8 =	sshll.u32 s28, $0x1;
	[dreg:$0x2] =	wrdreg s7  }
0xb1: {  	[dreg:$0x3] =	wrdreg s8  }
0xb2: {  	[dreg:$0x4] =	wrdreg $0xC0  }
0xb3: {  	_ =	task [dreg:s11], $0x5FFFF  }
0xb4: {  	[dreg:$0x1] =	wrdreg $0xFFFFFFFF  }
0xb5: {  	[dreg:$0x0] =	wrdreg $0x60  }
0xb6: {  	[dreg:$0x2] =	wrdreg s16  }
0xb7: {  	[dreg:$0x3] =	wrdreg s4  }
0xb8: {  	[dreg:$0x4] =	wrdreg s5  }
0xb9: {  	[dreg:$0x5] =	wrdreg s17  }
0xba: {  	[dreg:$0x6] =	wrdreg s18  }
0xbb: {  	[dreg:$0x7] =	wrdreg $0x9  }
0xbc: {  	_ =	task.clear_ibuf [dreg:s11], $0x8FFFF;
	_ =	strace $0x90000046  }
0xbd: {  	s29 =	simm.s32 $0x9;
	_ =	strace $0x80000048  }
0xbe: {  	_ =	swait.ge [sflag:s29], $0x1  }
0xbf: {  	[sflag:s29] =	ssyncadd.s32 $0xFFFFFFFF  }
0xc0: {  	_ =	strace $0x90000048  }
0xc1: {  	_ =	sfence  }
0xc2: {  	s30 =	sld [smem:$0x0];
	_ =	sdelay $0x2  }
0xc3: {  	s31 =	sshll.u32 s1, $0xD;
	s1 =	sshrl.u32 s1, $0x2  }
0xc4: {  	s3 =	sand.u32 $0x4000, s31;
	s1 =	sadd.s32 s1, s30  }
0xc5: {  	s0 =	sor.u32 s3, s0;
	s1 =	sshll.u32 s1, $0x11  }
0xc6: {  	s0 =	sor.u32 s1, s0  }
0xc7: {  	s0 =	sadd.s32 $0x8F2B, s0  }
0xc8: {  	[sflag:s0] =	ssyncadd.remote.s32 $0x1  }
0xc9: {  	_ =	sfence.sel $0xFFFF  }
0xca: {  	[dreg:$0x0] =	wrdreg $0xFFFFFFFF;
	(pc) =	sbr.abs _section_cstart, $3  }
0xcb: {  	[dreg:$0x1] =	wrdreg $0xFFFFFFFF  }
0xcc: {  	_ =	task.clear_ibuf [dreg:s11], $0x2FFFF;
	_ =	strace $0x9FFFFFFF  }
0xcd: {  	(tm) =	ssettm $0x7FFFFFFF  }
tec
execute0_lowered:
.L_overlay_start_1:
0x0: {  	(tag) =	ssettag $0x1  }
0x1: {  	s0 =	rddreg [dreg:$0x0]  }
0x2: {  	s1 =	srdreg.scid;
	s3 =	rddreg [dreg:$0x1]  }
0x3: {  	s30 =	stileid.u32;
	s4 =	rddreg [dreg:$0x2]  }
0x4: {  	s6 =	rddreg [dreg:$0x3];
	s1 =	sand.u32 $0x1, s1;
	s2 =	sshll.u32 s30, $0x1  }
0x5: {  	s8 =	rddreg [dreg:$0x4];
	p0 =	por $0x0, $0x0;
	s5 =	sor.u32 s1, s2  }
0x6: {  	s31 =	simm.s32 $0x3C0;
	s7 =	sshll.u32 s30, $0x2;
	s2 =	sshll.u32 s5, $0x9  }
0x7: {  	s5 =	sshll.u32 s5, $0xE;
	s7 =	sor.u32 s7, s2;
	s2 =	simm.s32 $0x0  }
0x8: {  	s19 =	sadd.s32 s6, s5;
	s20 =	sadd.s32 s8, s5;
	[smem:$0x7FF] =	sst s2  }
0x9: {  	s21 =	sor.u32 $0x400, s5;
	_ =	strace $0x80000047;
	[dreg:$0x7] =	wrdreg s19  }
0xa: {  	s1 =	ssub.s32 $0x2, s1;
	s22 =	sadd.s32 s6, s21;
	[dreg:$0x8] =	wrdreg s20  }
0xb: {  	s24 =	sor.u32 $0xC00, s5;
	s23 =	sadd.s32 s8, s21;
	[dreg:$0x9] =	wrdreg s22  }
0xc: {  	s28 =	sor.u32 $0x1400, s5;
	s25 =	sadd.s32 s6, s24;
	[dreg:$0xa] =	wrdreg s23  }
0xd: {  	s11 =	sor.u32 $0x1C00, s5;
	s26 =	sadd.s32 s8, s24;
	[dreg:$0xb] =	wrdreg s25  }
0xe: {  	s14 =	sor.u32 $0x2400, s5;
	s9 =	sadd.s32 s6, s28;
	[dreg:$0xc] =	wrdreg s26  }
0xf: {  	s17 =	sor.u32 $0x2C00, s5;
	s10 =	sadd.s32 s8, s28;
	[dreg:$0xd] =	wrdreg s9  }
0x10: {  	s7 =	sand.u32 $0xE30, s7;
	s12 =	sadd.s32 s6, s11;
	[dreg:$0xe] =	wrdreg s10  }
0x11: {  	s13 =	sadd.s32 s8, s11;
	s15 =	sadd.s32 s6, s14;
	[dreg:$0xf] =	wrdreg s12  }
0x12: {  	s16 =	sadd.s32 s8, s14;
	s18 =	sadd.s32 s6, s17;
	[dreg:$0x10] =	wrdreg s13  }
0x13: {  	s24 =	sshrl.u32 s1, $0x1;
	s14 =	simm.s32 $0x10400;
	[dreg:$0x11] =	wrdreg s15  }
0x14: {  	s11 =	simm.s32 $0xC;
	s0 =	sadd.s32 s0, s7;
	[dreg:$0x12] =	wrdreg s16  }
0x15: {  	[dreg:$0x13] =	wrdreg s18;
	s19 =	sadd.s32 s8, s17;
	s20 =	sor.u32 $0x3400, s5  }
0x16: {  	s5 =	sor.u32 $0x3C00, s5;
	s1 =	ssub.s32 s1, s24;
	s26 =	simm.s32 $0x200  }
0x17: {  	s24 =	simm.s32 $0x80;
	s15 =	simm.s32 $0x400;
	s16 =	simm.s32 $0xC400  }
0x18: {  	s13 =	simm.s32 $0x4400;
	s9 =	simm.s32 $0x14400;
	s10 =	simm.s32 $0x9  }
0x19: {  	s18 =	simm.s32 $0x6;
	s17 =	simm.s32 $0x8;
	s12 =	simm.s32 $0xD  }
0x1a: {  	s7 =	simm.s32 $0xE;
	[dreg:$0x1a] =	wrdreg s0;
	s0 =	sadd.s32 $0x40, s0  }
0x1b: {  	[dreg:$0x14] =	wrdreg s19;
	s21 =	sadd.s32 s6, s20;
	s22 =	sadd.s32 s8, s20  }
0x1c: {  	s23 =	sadd.s32 s6, s5;
	s25 =	sadd.s32 s8, s5;
	[dreg:$0x19] =	wrdreg s26  }
0x1d: {  	s28 =	smax.u32 s1, $0x1;
	s26 =	simm.s32 $0x1;
	[dreg:$0x6] =	wrdreg s0  }
0x1e: {  	s20 =	simm.s32 $0x40;
	[dreg:$0x15] =	wrdreg s21;
	p1 =	sne.s32 s28, $0x1  }
.Ltmp0:
0x1f: {  	s8 =	simm.s32 $0x8400;
	[dreg:$0x16] =	wrdreg s22;
	(pc) =	sbr.rel @!p1 .LBB2_1-.Ltmp0, $4  }
0x20: {  	s5 =	simm.s32 $0xA;
	s6 =	simm.s32 $0xB;
	[dreg:$0x17] =	wrdreg s23  }
0x21: {  	s19 =	simm.s32 $0x7;
	s1 =	simm.s32 $0x240;
	[dreg:$0x18] =	wrdreg s25  }
0x22: {  	s25 =	simm.s32 $0x2;
	s23 =	simm.s32 $0x3;
	s22 =	simm.s32 $0x4  }
0x23: {  	s21 =	simm.s32 $0x5;
	s0 =	sadd.s32 $0xFFFFFFFF, s28;
	s29 =	rddreg [dreg:$0x19]  }
0x24: {  	s30 =	smov.u32 s0;
	s0 =	rddreg [dreg:$0x1a]  }
0x25: {  	[tilespmem:s2], [sflag:$0x1] =	stream.linear.gather [hbm4b:s0+s2], $0x80, $0x38;
	[tilespmem:$0x18400] =	vst v63  }
0x26: {  	s28 =	rddreg [dreg:$0x6]  }
0x27: {  	[tilespmem:s24], [sflag:$0x2] =	stream.strided.gather [hbm4b:s28+s24], $0x380, s29, s24, $0x38;
	[tilespmem:$0x18400] =	vst v63  }
0x28: {  	_ =	swait.ge [sflag:s26], $0x80  }
0x29: {  	[sflag:s26] =	ssyncset.done $0x0  }
0x2a: {  	[sflag:s26] =	ssyncadd.s32 $0xFFFFFF80  }
0x2b: {  	[tilespmem:s15], [sflag:$0x3] =	stream.indirect.gather [hbm4b:s3+s20], $0x80, s2, s20, $0xb8;
	[tilespmem:$0x18400] =	vst v63  }
0x2c: {  	_ = 	snop  }
0x2d: {  	[tilespmem:s16], [sflag:$0x4] =	stream.indirect.gather [hbm4b:s4+s20], $0x80, s2, s20, $0xb8;
	[tilespmem:$0x18400] =	vst v63  }
0x2e: {  	_ =	swait.ge [sflag:s25], $0x380  }
0x2f: {  	[sflag:s25] =	ssyncset.done $0x0  }
0x30: {  	[sflag:s25] =	ssyncadd.s32 $0xFFFFFC80  }
0x31: {  	[tilespmem:s13], [sflag:$0x5] =	stream.indirect.gather [hbm4b:s3+s24], $0x80, s20, s24, $0xb8;
	[tilespmem:$0x18400] =	vst v63  }
0x32: {  	_ = 	snop  }
0x33: {  	[tilespmem:s14], [sflag:$0x6] =	stream.indirect.gather [hbm4b:s4+s24], $0x80, s20, s24, $0xb8;
	[tilespmem:$0x18400] =	vst v63  }
0x34: {  	s0 =	simm.s32 $0xC0  }
0x35: {  	[tilespmem:s8], [sflag:$0x7] =	stream.indirect.gather [hbm4b:s3+s24], $0x80, s0, s24, $0xb8;
	[tilespmem:$0x18400] =	vst v63  }
0x36: {  	_ = 	snop  }
0x37: {  	[tilespmem:s9], [sflag:$0x8] =	stream.indirect.gather [hbm4b:s4+s24], $0x80, s0, s24, $0xb8;
	[tilespmem:$0x18400] =	vst v63  }
0x38: {  	_ =	swait.ge [sflag:s23], $0x2000  }
0x39: {  	[sflag:s23] =	ssyncset.done $0x0  }
0x3a: {  	[sflag:s23] =	ssyncadd.s32 $0xFFFFE000  }
0x3b: {  	_ =	swait.ge [sflag:s22], $0x2000  }
0x3c: {  	[sflag:s22] =	ssyncset.done $0x0  }
0x3d: {  	s28 =	rddreg [dreg:$0x7];
	[sflag:s22] =	ssyncadd.s32 $0xFFFFE000  }
0x3e: {  	[hbm4b:s28+s2] =	stream.linear.scatter [tilespmem:s15], [sflag:$0x9], $0x2000, $0x38;
	[tilespmem:$0x18400] =	vst v63  }
0x3f: {  	s29 =	rddreg [dreg:$0x8]  }
0x40: {  	[hbm4b:s29+s2] =	stream.linear.scatter [tilespmem:s16], [sflag:$0xA], $0x2000, $0x38;
	[tilespmem:$0x18400] =	vst v63  }
0x41: {  	_ =	swait.ge [sflag:s10], $0x2000  }
0x42: {  	[sflag:s10] =	ssyncset.done $0x0  }
0x43: {  	[sflag:s10] =	ssyncadd.s32 $0xFFFFE000  }
0x44: {  	_ =	swait.ge [sflag:s5], $0x2000  }
0x45: {  	[sflag:s5] =	ssyncset.done $0x0  }
0x46: {  	s0 =	simm.s32 $0x140;
	[sflag:s5] =	ssyncadd.s32 $0xFFFFE000  }
0x47: {  	[tilespmem:s15], [sflag:$0x3] =	stream.indirect.gather [hbm4b:s3+s24], $0x80, s0, s24, $0xb8;
	[tilespmem:$0x18400] =	vst v63  }
0x48: {  	_ = 	snop  }
0x49: {  	[tilespmem:s16], [sflag:$0x4] =	stream.indirect.gather [hbm4b:s4+s24], $0x80, s0, s24, $0xb8;
	[tilespmem:$0x18400] =	vst v63  }
0x4a: {  	_ =	swait.ge [sflag:s21], $0x4000  }
0x4b: {  	[sflag:s21] =	ssyncset.done $0x0  }
0x4c: {  	[sflag:s21] =	ssyncadd.s32 $0xFFFFC000  }
0x4d: {  	_ =	swait.ge [sflag:s18], $0x4000  }
0x4e: {  	[sflag:s18] =	ssyncset.done $0x0  }
0x4f: {  	s28 =	rddreg [dreg:$0x9];
	[sflag:s18] =	ssyncadd.s32 $0xFFFFC000  }
0x50: {  	[hbm4b:s28+s2] =	stream.linear.scatter [tilespmem:s13], [sflag:$0xB], $0x4000, $0x38;
	[tilespmem:$0x18400] =	vst v63  }
0x51: {  	s29 =	rddreg [dreg:$0xa]  }
0x52: {  	[hbm4b:s29+s2] =	stream.linear.scatter [tilespmem:s14], [sflag:$0xC], $0x4000, $0x38;
	[tilespmem:$0x18400] =	vst v63  }
0x53: {  	_ =	swait.ge [sflag:s6], $0x4000  }
0x54: {  	[sflag:s6] =	ssyncset.done $0x0  }
0x55: {  	[sflag:s6] =	ssyncadd.s32 $0xFFFFC000  }
0x56: {  	_ =	swait.ge [sflag:s11], $0x4000  }
0x57: {  	[sflag:s11] =	ssyncset.done $0x0  }
0x58: {  	s0 =	simm.s32 $0x1C0;
	[sflag:s11] =	ssyncadd.s32 $0xFFFFC000  }
0x59: {  	[tilespmem:s13], [sflag:$0x5] =	stream.indirect.gather [hbm4b:s3+s24], $0x80, s0, s24, $0xb8;
	[tilespmem:$0x18400] =	vst v63  }
0x5a: {  	_ = 	snop  }
0x5b: {  	[tilespmem:s14], [sflag:$0x6] =	stream.indirect.gather [hbm4b:s4+s24], $0x80, s0, s24, $0xb8;
	[tilespmem:$0x18400] =	vst v63  }
0x5c: {  	_ =	swait.ge [sflag:s19], $0x4000  }
0x5d: {  	[sflag:s19] =	ssyncset.done $0x0  }
0x5e: {  	[sflag:s19] =	ssyncadd.s32 $0xFFFFC000  }
0x5f: {  	_ =	swait.ge [sflag:s17], $0x4000  }
0x60: {  	[sflag:s17] =	ssyncset.done $0x0  }
0x61: {  	s28 =	rddreg [dreg:$0xb];
	[sflag:s17] =	ssyncadd.s32 $0xFFFFC000  }
0x62: {  	[hbm4b:s28+s2] =	stream.linear.scatter [tilespmem:s8], [sflag:$0xD], $0x4000, $0x38;
	[tilespmem:$0x18400] =	vst v63  }
0x63: {  	s29 =	rddreg [dreg:$0xc]  }
0x64: {  	[hbm4b:s29+s2] =	stream.linear.scatter [tilespmem:s9], [sflag:$0xE], $0x4000, $0x38;
	[tilespmem:$0x18400] =	vst v63  }
0x65: {  	_ =	swait.ge [sflag:s12], $0x4000  }
0x66: {  	[sflag:s12] =	ssyncset.done $0x0  }
0x67: {  	[sflag:s12] =	ssyncadd.s32 $0xFFFFC000  }
0x68: {  	_ =	swait.ge [sflag:s7], $0x4000  }
0x69: {  	[sflag:s7] =	ssyncset.done $0x0  }
0x6a: {  	[sflag:s7] =	ssyncadd.s32 $0xFFFFC000  }
0x6b: {  	[tilespmem:s8], [sflag:$0x7] =	stream.indirect.gather [hbm4b:s3+s24], $0x80, s1, s24, $0xb8;
	[tilespmem:$0x18400] =	vst v63  }
0x6c: {  	_ = 	snop  }
0x6d: {  	[tilespmem:s9], [sflag:$0x8] =	stream.indirect.gather [hbm4b:s4+s24], $0x80, s1, s24, $0xb8;
	[tilespmem:$0x18400] =	vst v63  }
0x6e: {  	_ =	swait.ge [sflag:s23], $0x4000  }
0x6f: {  	[sflag:s23] =	ssyncset.done $0x0  }
0x70: {  	[sflag:s23] =	ssyncadd.s32 $0xFFFFC000  }
0x71: {  	_ =	swait.ge [sflag:s22], $0x4000  }
0x72: {  	[sflag:s22] =	ssyncset.done $0x0  }
0x73: {  	s28 =	rddreg [dreg:$0xd];
	[sflag:s22] =	ssyncadd.s32 $0xFFFFC000  }
0x74: {  	[hbm4b:s28+s2] =	stream.linear.scatter [tilespmem:s15], [sflag:$0x9], $0x4000, $0x38;
	[tilespmem:$0x18400] =	vst v63  }
0x75: {  	s29 =	rddreg [dreg:$0xe]  }
0x76: {  	[hbm4b:s29+s2] =	stream.linear.scatter [tilespmem:s16], [sflag:$0xA], $0x4000, $0x38;
	[tilespmem:$0x18400] =	vst v63  }
0x77: {  	_ =	swait.ge [sflag:s10], $0x4000  }
0x78: {  	[sflag:s10] =	ssyncset.done $0x0  }
0x79: {  	[sflag:s10] =	ssyncadd.s32 $0xFFFFC000  }
0x7a: {  	_ =	swait.ge [sflag:s5], $0x4000  }
0x7b: {  	[sflag:s5] =	ssyncset.done $0x0  }
0x7c: {  	s0 =	simm.s32 $0x2C0;
	[sflag:s5] =	ssyncadd.s32 $0xFFFFC000  }
0x7d: {  	[tilespmem:s15], [sflag:$0x3] =	stream.indirect.gather [hbm4b:s3+s24], $0x80, s0, s24, $0xb8;
	[tilespmem:$0x18400] =	vst v63  }
0x7e: {  	_ = 	snop  }
0x7f: {  	[tilespmem:s16], [sflag:$0x4] =	stream.indirect.gather [hbm4b:s4+s24], $0x80, s0, s24, $0xb8;
	[tilespmem:$0x18400] =	vst v63  }
0x80: {  	_ =	swait.ge [sflag:s21], $0x4000  }
0x81: {  	[sflag:s21] =	ssyncset.done $0x0  }
0x82: {  	[sflag:s21] =	ssyncadd.s32 $0xFFFFC000  }
0x83: {  	_ =	swait.ge [sflag:s18], $0x4000  }
0x84: {  	[sflag:s18] =	ssyncset.done $0x0  }
0x85: {  	s28 =	rddreg [dreg:$0xf];
	[sflag:s18] =	ssyncadd.s32 $0xFFFFC000  }
0x86: {  	[hbm4b:s28+s2] =	stream.linear.scatter [tilespmem:s13], [sflag:$0xB], $0x4000, $0x38;
	[tilespmem:$0x18400] =	vst v63  }
0x87: {  	s29 =	rddreg [dreg:$0x10]  }
0x88: {  	[hbm4b:s29+s2] =	stream.linear.scatter [tilespmem:s14], [sflag:$0xC], $0x4000, $0x38;
	[tilespmem:$0x18400] =	vst v63  }
0x89: {  	_ =	swait.ge [sflag:s6], $0x4000  }
0x8a: {  	[sflag:s6] =	ssyncset.done $0x0  }
0x8b: {  	[sflag:s6] =	ssyncadd.s32 $0xFFFFC000  }
0x8c: {  	_ =	swait.ge [sflag:s11], $0x4000  }
0x8d: {  	[sflag:s11] =	ssyncset.done $0x0  }
0x8e: {  	s0 =	simm.s32 $0x340;
	[sflag:s11] =	ssyncadd.s32 $0xFFFFC000  }
0x8f: {  	[tilespmem:s13], [sflag:$0x5] =	stream.indirect.gather [hbm4b:s3+s24], $0x80, s0, s24, $0xb8;
	[tilespmem:$0x18400] =	vst v63  }
0x90: {  	_ = 	snop  }
0x91: {  	[tilespmem:s14], [sflag:$0x6] =	stream.indirect.gather [hbm4b:s4+s24], $0x80, s0, s24, $0xb8;
	[tilespmem:$0x18400] =	vst v63  }
0x92: {  	_ =	swait.ge [sflag:s19], $0x4000  }
0x93: {  	[sflag:s19] =	ssyncset.done $0x0  }
0x94: {  	[sflag:s19] =	ssyncadd.s32 $0xFFFFC000  }
0x95: {  	_ =	swait.ge [sflag:s17], $0x4000  }
0x96: {  	[sflag:s17] =	ssyncset.done $0x0  }
0x97: {  	s28 =	rddreg [dreg:$0x11];
	[sflag:s17] =	ssyncadd.s32 $0xFFFFC000  }
0x98: {  	[hbm4b:s28+s2] =	stream.linear.scatter [tilespmem:s8], [sflag:$0xD], $0x4000, $0x38;
	[tilespmem:$0x18400] =	vst v63  }
0x99: {  	s29 =	rddreg [dreg:$0x12]  }
0x9a: {  	[hbm4b:s29+s2] =	stream.linear.scatter [tilespmem:s9], [sflag:$0xE], $0x4000, $0x38;
	[tilespmem:$0x18400] =	vst v63  }
0x9b: {  	_ =	swait.ge [sflag:s12], $0x4000  }
0x9c: {  	[sflag:s12] =	ssyncset.done $0x0  }
0x9d: {  	[sflag:s12] =	ssyncadd.s32 $0xFFFFC000  }
0x9e: {  	_ =	swait.ge [sflag:s7], $0x4000  }
0x9f: {  	[sflag:s7] =	ssyncset.done $0x0  }
0xa0: {  	[sflag:s7] =	ssyncadd.s32 $0xFFFFC000  }
0xa1: {  	[tilespmem:s8], [sflag:$0x7] =	stream.indirect.gather [hbm4b:s3+s20], $0x80, s31, s20, $0xb8;
	[tilespmem:$0x18400] =	vst v63  }
0xa2: {  	_ = 	snop  }
0xa3: {  	[tilespmem:s9], [sflag:$0x8] =	stream.indirect.gather [hbm4b:s4+s20], $0x80, s31, s20, $0xb8;
	[tilespmem:$0x18400] =	vst v63  }
0xa4: {  	_ =	swait.ge [sflag:s23], $0x4000  }
0xa5: {  	[sflag:s23] =	ssyncset.done $0x0  }
0xa6: {  	[sflag:s23] =	ssyncadd.s32 $0xFFFFC000  }
0xa7: {  	_ =	swait.ge [sflag:s22], $0x4000  }
0xa8: {  	[sflag:s22] =	ssyncset.done $0x0  }
0xa9: {  	s28 =	rddreg [dreg:$0x13];
	[sflag:s22] =	ssyncadd.s32 $0xFFFFC000  }
0xaa: {  	[hbm4b:s28+s2] =	stream.linear.scatter [tilespmem:s15], [sflag:$0x9], $0x4000, $0x38;
	[tilespmem:$0x18400] =	vst v63  }
0xab: {  	s29 =	rddreg [dreg:$0x14]  }
0xac: {  	[hbm4b:s29+s2] =	stream.linear.scatter [tilespmem:s16], [sflag:$0xA], $0x4000, $0x38;
	[tilespmem:$0x18400] =	vst v63  }
0xad: {  	_ =	swait.ge [sflag:s21], $0x4000  }
0xae: {  	[sflag:s21] =	ssyncset.done $0x0  }
0xaf: {  	[sflag:s21] =	ssyncadd.s32 $0xFFFFC000  }
0xb0: {  	_ =	swait.ge [sflag:s18], $0x4000  }
0xb1: {  	[sflag:s18] =	ssyncset.done $0x0  }
0xb2: {  	s28 =	rddreg [dreg:$0x15];
	[sflag:s18] =	ssyncadd.s32 $0xFFFFC000  }
0xb3: {  	[hbm4b:s28+s2] =	stream.linear.scatter [tilespmem:s13], [sflag:$0xB], $0x4000, $0x38;
	[tilespmem:$0x18400] =	vst v63  }
0xb4: {  	s29 =	rddreg [dreg:$0x16]  }
0xb5: {  	[hbm4b:s29+s2] =	stream.linear.scatter [tilespmem:s14], [sflag:$0xC], $0x4000, $0x38;
	[tilespmem:$0x18400] =	vst v63  }
0xb6: {  	_ =	swait.ge [sflag:s19], $0x2000  }
0xb7: {  	[sflag:s19] =	ssyncset.done $0x0  }
0xb8: {  	[sflag:s19] =	ssyncadd.s32 $0xFFFFE000  }
0xb9: {  	_ =	swait.ge [sflag:s17], $0x2000  }
0xba: {  	[sflag:s17] =	ssyncset.done $0x0  }
0xbb: {  	s28 =	rddreg [dreg:$0x17];
	[sflag:s17] =	ssyncadd.s32 $0xFFFFE000  }
0xbc: {  	[hbm4b:s28+s2] =	stream.linear.scatter [tilespmem:s8], [sflag:$0xD], $0x2000, $0x38;
	[tilespmem:$0x18400] =	vst v63  }
0xbd: {  	s29 =	rddreg [dreg:$0x18]  }
0xbe: {  	[hbm4b:s29+s2] =	stream.linear.scatter [tilespmem:s9], [sflag:$0xE], $0x2000, $0x38;
	[tilespmem:$0x18400] =	vst v63  }
0xbf: {  	_ =	swait.ge [sflag:s10], $0x4000  }
0xc0: {  	[sflag:s10] =	ssyncset.done $0x0  }
0xc1: {  	[sflag:s10] =	ssyncadd.s32 $0xFFFFC000  }
0xc2: {  	_ =	swait.ge [sflag:s5], $0x4000  }
0xc3: {  	[sflag:s5] =	ssyncset.done $0x0  }
0xc4: {  	[sflag:s5] =	ssyncadd.s32 $0xFFFFC000  }
0xc5: {  	_ =	swait.ge [sflag:s6], $0x4000  }
0xc6: {  	[sflag:s6] =	ssyncset.done $0x0  }
0xc7: {  	[sflag:s6] =	ssyncadd.s32 $0xFFFFC000  }
0xc8: {  	_ =	swait.ge [sflag:s11], $0x4000  }
0xc9: {  	[sflag:s11] =	ssyncset.done $0x0  }
0xca: {  	p1 =	sne.s32 s30, $0x1;
	[sflag:s11] =	ssyncadd.s32 $0xFFFFC000  }
.Ltmp1:
0xcb: {  	_ =	swait.ge [sflag:s12], $0x2000;
	(pc) =	sbr.rel @!p1 .LBB2_3-.Ltmp1, $4  }
0xcc: {  	[sflag:s12] =	ssyncset.done $0x0  }
0xcd: {  	[sflag:s12] =	ssyncadd.s32 $0xFFFFE000  }
0xce: {  	p0 =	por $0x1, $0x1;
	_ =	swait.ge [sflag:s7], $0x2000  }
0xcf: {  	s28 =	sadd.s32 $0xFFFFFFFF, s30;
	s29 =	rddreg [dreg:$0x19];
	[sflag:s7] =	ssyncset.done $0x0  }
.LBB2_4:
0xd0: {  	[sflag:s7] =	ssyncadd.s32 $0xFFFFE000;
	s0 =	rddreg [dreg:$0x1a]  }
0xd1: {  	[tilespmem:s2], [sflag:$0x1] =	stream.linear.gather [hbm4b:s0+s2], $0x80, $0x38;
	[tilespmem:$0x18400] =	vst v63  }
0xd2: {  	s30 =	rddreg [dreg:$0x6]  }
0xd3: {  	[tilespmem:s24], [sflag:$0x2] =	stream.strided.gather [hbm4b:s30+s24], $0x380, s29, s24, $0x38;
	[tilespmem:$0x18400] =	vst v63  }
0xd4: {  	_ =	swait.ge [sflag:s26], $0x80  }
0xd5: {  	[sflag:s26] =	ssyncset.done $0x0  }
0xd6: {  	[sflag:s26] =	ssyncadd.s32 $0xFFFFFF80  }
0xd7: {  	[tilespmem:s15], [sflag:$0x3] =	stream.indirect.gather [hbm4b:s3+s20], $0x80, s2, s20, $0xb8;
	[tilespmem:$0x18400] =	vst v63  }
0xd8: {  	_ = 	snop  }
0xd9: {  	[tilespmem:s16], [sflag:$0x4] =	stream.indirect.gather [hbm4b:s4+s20], $0x80, s2, s20, $0xb8;
	[tilespmem:$0x18400] =	vst v63  }
0xda: {  	_ =	swait.ge [sflag:s25], $0x380  }
0xdb: {  	[sflag:s25] =	ssyncset.done $0x0  }
0xdc: {  	[sflag:s25] =	ssyncadd.s32 $0xFFFFFC80  }
0xdd: {  	[tilespmem:s13], [sflag:$0x5] =	stream.indirect.gather [hbm4b:s3+s24], $0x80, s20, s24, $0xb8;
	[tilespmem:$0x18400] =	vst v63  }
0xde: {  	_ = 	snop  }
0xdf: {  	[tilespmem:s14], [sflag:$0x6] =	stream.indirect.gather [hbm4b:s4+s24], $0x80, s20, s24, $0xb8;
	[tilespmem:$0x18400] =	vst v63  }
0xe0: {  	s30 =	simm.s32 $0xC0  }
0xe1: {  	[tilespmem:s8], [sflag:$0x7] =	stream.indirect.gather [hbm4b:s3+s24], $0x80, s30, s24, $0xb8;
	[tilespmem:$0x18400] =	vst v63  }
0xe2: {  	_ = 	snop  }
0xe3: {  	[tilespmem:s9], [sflag:$0x8] =	stream.indirect.gather [hbm4b:s4+s24], $0x80, s30, s24, $0xb8;
	[tilespmem:$0x18400] =	vst v63  }
0xe4: {  	_ =	swait.ge [sflag:s23], $0x2000  }
0xe5: {  	[sflag:s23] =	ssyncset.done $0x0  }
0xe6: {  	[sflag:s23] =	ssyncadd.s32 $0xFFFFE000  }
0xe7: {  	_ =	swait.ge [sflag:s22], $0x2000  }
0xe8: {  	[sflag:s22] =	ssyncset.done $0x0  }
0xe9: {  	s29 =	rddreg [dreg:$0x7];
	[sflag:s22] =	ssyncadd.s32 $0xFFFFE000  }
0xea: {  	[hbm4b:s29+s2] =	stream.linear.scatter [tilespmem:s15], [sflag:$0x9], $0x2000, $0x38;
	[tilespmem:$0x18400] =	vst v63  }
0xeb: {  	s0 =	rddreg [dreg:$0x8]  }
0xec: {  	[hbm4b:s0+s2] =	stream.linear.scatter [tilespmem:s16], [sflag:$0xA], $0x2000, $0x38;
	[tilespmem:$0x18400] =	vst v63  }
0xed: {  	_ =	swait.ge [sflag:s10], $0x2000  }
0xee: {  	[sflag:s10] =	ssyncset.done $0x0  }
0xef: {  	[sflag:s10] =	ssyncadd.s32 $0xFFFFE000  }
0xf0: {  	_ =	swait.ge [sflag:s5], $0x2000  }
0xf1: {  	[sflag:s5] =	ssyncset.done $0x0  }
0xf2: {  	s30 =	simm.s32 $0x140;
	[sflag:s5] =	ssyncadd.s32 $0xFFFFE000  }
0xf3: {  	[tilespmem:s15], [sflag:$0x3] =	stream.indirect.gather [hbm4b:s3+s24], $0x80, s30, s24, $0xb8;
	[tilespmem:$0x18400] =	vst v63  }
0xf4: {  	_ = 	snop  }
0xf5: {  	[tilespmem:s16], [sflag:$0x4] =	stream.indirect.gather [hbm4b:s4+s24], $0x80, s30, s24, $0xb8;
	[tilespmem:$0x18400] =	vst v63  }
0xf6: {  	_ =	swait.ge [sflag:s21], $0x4000  }
0xf7: {  	[sflag:s21] =	ssyncset.done $0x0  }
0xf8: {  	[sflag:s21] =	ssyncadd.s32 $0xFFFFC000  }
0xf9: {  	_ =	swait.ge [sflag:s18], $0x4000  }
0xfa: {  	[sflag:s18] =	ssyncset.done $0x0  }
0xfb: {  	s29 =	rddreg [dreg:$0x9];
	[sflag:s18] =	ssyncadd.s32 $0xFFFFC000  }
0xfc: {  	[hbm4b:s29+s2] =	stream.linear.scatter [tilespmem:s13], [sflag:$0xB], $0x4000, $0x38;
	[tilespmem:$0x18400] =	vst v63  }
0xfd: {  	s0 =	rddreg [dreg:$0xa]  }
0xfe: {  	[hbm4b:s0+s2] =	stream.linear.scatter [tilespmem:s14], [sflag:$0xC], $0x4000, $0x38;
	[tilespmem:$0x18400] =	vst v63  }
0xff: {  	_ =	swait.ge [sflag:s6], $0x4000  }
0x100: {  	[sflag:s6] =	ssyncset.done $0x0  }
0x101: {  	[sflag:s6] =	ssyncadd.s32 $0xFFFFC000  }
0x102: {  	_ =	swait.ge [sflag:s11], $0x4000  }
0x103: {  	[sflag:s11] =	ssyncset.done $0x0  }
0x104: {  	s30 =	simm.s32 $0x1C0;
	[sflag:s11] =	ssyncadd.s32 $0xFFFFC000  }
0x105: {  	[tilespmem:s13], [sflag:$0x5] =	stream.indirect.gather [hbm4b:s3+s24], $0x80, s30, s24, $0xb8;
	[tilespmem:$0x18400] =	vst v63  }
0x106: {  	_ = 	snop  }
0x107: {  	[tilespmem:s14], [sflag:$0x6] =	stream.indirect.gather [hbm4b:s4+s24], $0x80, s30, s24, $0xb8;
	[tilespmem:$0x18400] =	vst v63  }
0x108: {  	_ =	swait.ge [sflag:s19], $0x4000  }
0x109: {  	[sflag:s19] =	ssyncset.done $0x0  }
0x10a: {  	[sflag:s19] =	ssyncadd.s32 $0xFFFFC000  }
0x10b: {  	_ =	swait.ge [sflag:s17], $0x4000  }
0x10c: {  	[sflag:s17] =	ssyncset.done $0x0  }
0x10d: {  	s29 =	rddreg [dreg:$0xb];
	[sflag:s17] =	ssyncadd.s32 $0xFFFFC000  }
0x10e: {  	[hbm4b:s29+s2] =	stream.linear.scatter [tilespmem:s8], [sflag:$0xD], $0x4000, $0x38;
	[tilespmem:$0x18400] =	vst v63  }
0x10f: {  	s0 =	rddreg [dreg:$0xc]  }
0x110: {  	[hbm4b:s0+s2] =	stream.linear.scatter [tilespmem:s9], [sflag:$0xE], $0x4000, $0x38;
	[tilespmem:$0x18400] =	vst v63  }
0x111: {  	_ =	swait.ge [sflag:s12], $0x4000  }
0x112: {  	[sflag:s12] =	ssyncset.done $0x0  }
0x113: {  	[sflag:s12] =	ssyncadd.s32 $0xFFFFC000  }
0x114: {  	_ =	swait.ge [sflag:s7], $0x4000  }
0x115: {  	[sflag:s7] =	ssyncset.done $0x0  }
0x116: {  	[sflag:s7] =	ssyncadd.s32 $0xFFFFC000  }
0x117: {  	[tilespmem:s8], [sflag:$0x7] =	stream.indirect.gather [hbm4b:s3+s24], $0x80, s1, s24, $0xb8;
	[tilespmem:$0x18400] =	vst v63  }
0x118: {  	_ = 	snop  }
0x119: {  	[tilespmem:s9], [sflag:$0x8] =	stream.indirect.gather [hbm4b:s4+s24], $0x80, s1, s24, $0xb8;
	[tilespmem:$0x18400] =	vst v63  }
0x11a: {  	_ =	swait.ge [sflag:s23], $0x4000  }
0x11b: {  	[sflag:s23] =	ssyncset.done $0x0  }
0x11c: {  	[sflag:s23] =	ssyncadd.s32 $0xFFFFC000  }
0x11d: {  	_ =	swait.ge [sflag:s22], $0x4000  }
0x11e: {  	[sflag:s22] =	ssyncset.done $0x0  }
0x11f: {  	s29 =	rddreg [dreg:$0xd];
	[sflag:s22] =	ssyncadd.s32 $0xFFFFC000  }
0x120: {  	[hbm4b:s29+s2] =	stream.linear.scatter [tilespmem:s15], [sflag:$0x9], $0x4000, $0x38;
	[tilespmem:$0x18400] =	vst v63  }
0x121: {  	s0 =	rddreg [dreg:$0xe]  }
0x122: {  	[hbm4b:s0+s2] =	stream.linear.scatter [tilespmem:s16], [sflag:$0xA], $0x4000, $0x38;
	[tilespmem:$0x18400] =	vst v63  }
0x123: {  	_ =	swait.ge [sflag:s10], $0x4000  }
0x124: {  	[sflag:s10] =	ssyncset.done $0x0  }
0x125: {  	[sflag:s10] =	ssyncadd.s32 $0xFFFFC000  }
0x126: {  	_ =	swait.ge [sflag:s5], $0x4000  }
0x127: {  	[sflag:s5] =	ssyncset.done $0x0  }
0x128: {  	s30 =	simm.s32 $0x2C0;
	[sflag:s5] =	ssyncadd.s32 $0xFFFFC000  }
0x129: {  	[tilespmem:s15], [sflag:$0x3] =	stream.indirect.gather [hbm4b:s3+s24], $0x80, s30, s24, $0xb8;
	[tilespmem:$0x18400] =	vst v63  }
0x12a: {  	_ = 	snop  }
0x12b: {  	[tilespmem:s16], [sflag:$0x4] =	stream.indirect.gather [hbm4b:s4+s24], $0x80, s30, s24, $0xb8;
	[tilespmem:$0x18400] =	vst v63  }
0x12c: {  	_ =	swait.ge [sflag:s21], $0x4000  }
0x12d: {  	[sflag:s21] =	ssyncset.done $0x0  }
0x12e: {  	[sflag:s21] =	ssyncadd.s32 $0xFFFFC000  }
0x12f: {  	_ =	swait.ge [sflag:s18], $0x4000  }
0x130: {  	[sflag:s18] =	ssyncset.done $0x0  }
0x131: {  	s29 =	rddreg [dreg:$0xf];
	[sflag:s18] =	ssyncadd.s32 $0xFFFFC000  }
0x132: {  	[hbm4b:s29+s2] =	stream.linear.scatter [tilespmem:s13], [sflag:$0xB], $0x4000, $0x38;
	[tilespmem:$0x18400] =	vst v63  }
0x133: {  	s0 =	rddreg [dreg:$0x10]  }
0x134: {  	[hbm4b:s0+s2] =	stream.linear.scatter [tilespmem:s14], [sflag:$0xC], $0x4000, $0x38;
	[tilespmem:$0x18400] =	vst v63  }
0x135: {  	_ =	swait.ge [sflag:s6], $0x4000  }
0x136: {  	[sflag:s6] =	ssyncset.done $0x0  }
0x137: {  	[sflag:s6] =	ssyncadd.s32 $0xFFFFC000  }
0x138: {  	_ =	swait.ge [sflag:s11], $0x4000  }
0x139: {  	[sflag:s11] =	ssyncset.done $0x0  }
0x13a: {  	s30 =	simm.s32 $0x340;
	[sflag:s11] =	ssyncadd.s32 $0xFFFFC000  }
0x13b: {  	[tilespmem:s13], [sflag:$0x5] =	stream.indirect.gather [hbm4b:s3+s24], $0x80, s30, s24, $0xb8;
	[tilespmem:$0x18400] =	vst v63  }
0x13c: {  	_ = 	snop  }
0x13d: {  	[tilespmem:s14], [sflag:$0x6] =	stream.indirect.gather [hbm4b:s4+s24], $0x80, s30, s24, $0xb8;
	[tilespmem:$0x18400] =	vst v63  }
0x13e: {  	_ =	swait.ge [sflag:s19], $0x4000  }
0x13f: {  	[sflag:s19] =	ssyncset.done $0x0  }
0x140: {  	[sflag:s19] =	ssyncadd.s32 $0xFFFFC000  }
0x141: {  	_ =	swait.ge [sflag:s17], $0x4000  }
0x142: {  	[sflag:s17] =	ssyncset.done $0x0  }
0x143: {  	s29 =	rddreg [dreg:$0x11];
	[sflag:s17] =	ssyncadd.s32 $0xFFFFC000  }
0x144: {  	[hbm4b:s29+s2] =	stream.linear.scatter [tilespmem:s8], [sflag:$0xD], $0x4000, $0x38;
	[tilespmem:$0x18400] =	vst v63  }
0x145: {  	s0 =	rddreg [dreg:$0x12]  }
0x146: {  	[hbm4b:s0+s2] =	stream.linear.scatter [tilespmem:s9], [sflag:$0xE], $0x4000, $0x38;
	[tilespmem:$0x18400] =	vst v63  }
0x147: {  	_ =	swait.ge [sflag:s12], $0x4000  }
0x148: {  	[sflag:s12] =	ssyncset.done $0x0  }
0x149: {  	[sflag:s12] =	ssyncadd.s32 $0xFFFFC000  }
0x14a: {  	_ =	swait.ge [sflag:s7], $0x4000  }
0x14b: {  	[sflag:s7] =	ssyncset.done $0x0  }
0x14c: {  	[sflag:s7] =	ssyncadd.s32 $0xFFFFC000  }
0x14d: {  	[tilespmem:s8], [sflag:$0x7] =	stream.indirect.gather [hbm4b:s3+s20], $0x80, s31, s20, $0xb8;
	[tilespmem:$0x18400] =	vst v63  }
0x14e: {  	_ = 	snop  }
0x14f: {  	[tilespmem:s9], [sflag:$0x8] =	stream.indirect.gather [hbm4b:s4+s20], $0x80, s31, s20, $0xb8;
	[tilespmem:$0x18400] =	vst v63  }
0x150: {  	_ =	swait.ge [sflag:s23], $0x4000  }
0x151: {  	[sflag:s23] =	ssyncset.done $0x0  }
0x152: {  	[sflag:s23] =	ssyncadd.s32 $0xFFFFC000  }
0x153: {  	_ =	swait.ge [sflag:s22], $0x4000  }
0x154: {  	[sflag:s22] =	ssyncset.done $0x0  }
0x155: {  	s29 =	rddreg [dreg:$0x13];
	[sflag:s22] =	ssyncadd.s32 $0xFFFFC000  }
0x156: {  	[hbm4b:s29+s2] =	stream.linear.scatter [tilespmem:s15], [sflag:$0x9], $0x4000, $0x38;
	[tilespmem:$0x18400] =	vst v63  }
0x157: {  	s0 =	rddreg [dreg:$0x14]  }
0x158: {  	[hbm4b:s0+s2] =	stream.linear.scatter [tilespmem:s16], [sflag:$0xA], $0x4000, $0x38;
	[tilespmem:$0x18400] =	vst v63  }
0x159: {  	_ =	swait.ge [sflag:s21], $0x4000  }
0x15a: {  	[sflag:s21] =	ssyncset.done $0x0  }
0x15b: {  	[sflag:s21] =	ssyncadd.s32 $0xFFFFC000  }
0x15c: {  	_ =	swait.ge [sflag:s18], $0x4000  }
0x15d: {  	[sflag:s18] =	ssyncset.done $0x0  }
0x15e: {  	s29 =	rddreg [dreg:$0x15];
	[sflag:s18] =	ssyncadd.s32 $0xFFFFC000  }
0x15f: {  	[hbm4b:s29+s2] =	stream.linear.scatter [tilespmem:s13], [sflag:$0xB], $0x4000, $0x38;
	[tilespmem:$0x18400] =	vst v63  }
0x160: {  	s0 =	rddreg [dreg:$0x16]  }
0x161: {  	[hbm4b:s0+s2] =	stream.linear.scatter [tilespmem:s14], [sflag:$0xC], $0x4000, $0x38;
	[tilespmem:$0x18400] =	vst v63  }
0x162: {  	_ =	swait.ge [sflag:s19], $0x2000  }
0x163: {  	[sflag:s19] =	ssyncset.done $0x0  }
0x164: {  	[sflag:s19] =	ssyncadd.s32 $0xFFFFE000  }
0x165: {  	_ =	swait.ge [sflag:s17], $0x2000  }
0x166: {  	[sflag:s17] =	ssyncset.done $0x0  }
0x167: {  	s29 =	rddreg [dreg:$0x17];
	[sflag:s17] =	ssyncadd.s32 $0xFFFFE000  }
0x168: {  	[hbm4b:s29+s2] =	stream.linear.scatter [tilespmem:s8], [sflag:$0xD], $0x2000, $0x38;
	[tilespmem:$0x18400] =	vst v63  }
0x169: {  	s0 =	rddreg [dreg:$0x18]  }
0x16a: {  	[hbm4b:s0+s2] =	stream.linear.scatter [tilespmem:s9], [sflag:$0xE], $0x2000, $0x38;
	[tilespmem:$0x18400] =	vst v63  }
0x16b: {  	_ =	swait.ge [sflag:s10], $0x4000  }
0x16c: {  	[sflag:s10] =	ssyncset.done $0x0  }
0x16d: {  	[sflag:s10] =	ssyncadd.s32 $0xFFFFC000  }
0x16e: {  	_ =	swait.ge [sflag:s5], $0x4000  }
0x16f: {  	[sflag:s5] =	ssyncset.done $0x0  }
0x170: {  	[sflag:s5] =	ssyncadd.s32 $0xFFFFC000  }
0x171: {  	_ =	swait.ge [sflag:s6], $0x4000  }
0x172: {  	[sflag:s6] =	ssyncset.done $0x0  }
0x173: {  	[sflag:s6] =	ssyncadd.s32 $0xFFFFC000  }
0x174: {  	_ =	swait.ge [sflag:s11], $0x4000  }
0x175: {  	[sflag:s11] =	ssyncset.done $0x0  }
0x176: {  	p1 =	sne.s32 s28, $0x1;
	[sflag:s11] =	ssyncadd.s32 $0xFFFFC000  }
.Ltmp2:
0x177: {  	_ =	swait.ge [sflag:s12], $0x2000;
	(pc) =	sbr.rel @p1 .LBB2_4-.Ltmp2, $4  }
0x178: {  	[sflag:s12] =	ssyncset.done $0x0  }
0x179: {  	[sflag:s12] =	ssyncadd.s32 $0xFFFFE000  }
0x17a: {  	_ =	swait.ge [sflag:s7], $0x2000  }
0x17b: {  	s28 =	sadd.s32 $0xFFFFFFFF, s28;
	s29 =	rddreg [dreg:$0x19];
	[sflag:s7] =	ssyncset.done $0x0  }
0x17c: {  	s0 =	rddreg [dreg:$0x1a];
	s30 =	stileid.u32  }
.LBB2_6:
0x17d: {  	[sflag:s7] =	ssyncadd.s32 @p0 $0xFFFFE000  }
0x17e: {  	[tilespmem:s2], [sflag:$0x1] =	stream.linear.gather [hbm4b:s0+s2], $0x80, $0x38;
	[tilespmem:$0x18400] =	vst v63  }
0x17f: {  	s28 =	rddreg [dreg:$0x6]  }
0x180: {  	[tilespmem:s24], [sflag:$0x2] =	stream.strided.gather [hbm4b:s28+s24], $0x380, s29, s24, $0x38;
	[tilespmem:$0x18400] =	vst v63  }
0x181: {  	_ =	swait.ge [sflag:s26], $0x80  }
0x182: {  	[sflag:s26] =	ssyncset.done $0x0  }
0x183: {  	[sflag:s26] =	ssyncadd.s32 $0xFFFFFF80  }
0x184: {  	[tilespmem:s15], [sflag:$0x3] =	stream.indirect.gather [hbm4b:s3+s20], $0x80, s2, s20, $0xb8;
	[tilespmem:$0x18400] =	vst v63  }
0x185: {  	_ = 	snop  }
0x186: {  	[tilespmem:s16], [sflag:$0x4] =	stream.indirect.gather [hbm4b:s4+s20], $0x80, s2, s20, $0xb8;
	[tilespmem:$0x18400] =	vst v63  }
0x187: {  	_ =	swait.ge [sflag:s25], $0x380  }
0x188: {  	[sflag:s25] =	ssyncset.done $0x0  }
0x189: {  	[sflag:s25] =	ssyncadd.s32 $0xFFFFFC80  }
0x18a: {  	[tilespmem:s13], [sflag:$0x5] =	stream.indirect.gather [hbm4b:s3+s24], $0x80, s20, s24, $0xb8;
	[tilespmem:$0x18400] =	vst v63  }
0x18b: {  	_ = 	snop  }
0x18c: {  	[tilespmem:s14], [sflag:$0x6] =	stream.indirect.gather [hbm4b:s4+s24], $0x80, s20, s24, $0xb8;
	[tilespmem:$0x18400] =	vst v63  }
0x18d: {  	s25 =	simm.s32 $0xC0  }
0x18e: {  	[tilespmem:s8], [sflag:$0x7] =	stream.indirect.gather [hbm4b:s3+s24], $0x80, s25, s24, $0xb8;
	[tilespmem:$0x18400] =	vst v63  }
0x18f: {  	_ = 	snop  }
0x190: {  	[tilespmem:s9], [sflag:$0x8] =	stream.indirect.gather [hbm4b:s4+s24], $0x80, s25, s24, $0xb8;
	[tilespmem:$0x18400] =	vst v63  }
0x191: {  	_ =	swait.ge [sflag:s23], $0x2000  }
0x192: {  	[sflag:s23] =	ssyncset.done $0x0  }
0x193: {  	[sflag:s23] =	ssyncadd.s32 $0xFFFFE000  }
0x194: {  	_ =	swait.ge [sflag:s22], $0x2000  }
0x195: {  	[sflag:s22] =	ssyncset.done $0x0  }
0x196: {  	s26 =	rddreg [dreg:$0x7];
	[sflag:s22] =	ssyncadd.s32 $0xFFFFE000  }
0x197: {  	[hbm4b:s26+s2] =	stream.linear.scatter [tilespmem:s15], [sflag:$0x9], $0x2000, $0x38;
	[tilespmem:$0x18400] =	vst v63  }
0x198: {  	s28 =	rddreg [dreg:$0x8]  }
0x199: {  	[hbm4b:s28+s2] =	stream.linear.scatter [tilespmem:s16], [sflag:$0xA], $0x2000, $0x38;
	[tilespmem:$0x18400] =	vst v63  }
0x19a: {  	_ =	swait.ge [sflag:s10], $0x2000  }
0x19b: {  	[sflag:s10] =	ssyncset.done $0x0  }
0x19c: {  	[sflag:s10] =	ssyncadd.s32 $0xFFFFE000  }
0x19d: {  	_ =	swait.ge [sflag:s5], $0x2000  }
0x19e: {  	[sflag:s5] =	ssyncset.done $0x0  }
0x19f: {  	s29 =	simm.s32 $0x140;
	[sflag:s5] =	ssyncadd.s32 $0xFFFFE000  }
0x1a0: {  	[tilespmem:s15], [sflag:$0x3] =	stream.indirect.gather [hbm4b:s3+s24], $0x80, s29, s24, $0xb8;
	[tilespmem:$0x18400] =	vst v63  }
0x1a1: {  	_ = 	snop  }
0x1a2: {  	[tilespmem:s16], [sflag:$0x4] =	stream.indirect.gather [hbm4b:s4+s24], $0x80, s29, s24, $0xb8;
	[tilespmem:$0x18400] =	vst v63  }
0x1a3: {  	_ =	swait.ge [sflag:s21], $0x4000  }
0x1a4: {  	[sflag:s21] =	ssyncset.done $0x0  }
0x1a5: {  	[sflag:s21] =	ssyncadd.s32 $0xFFFFC000  }
0x1a6: {  	_ =	swait.ge [sflag:s18], $0x4000  }
0x1a7: {  	[sflag:s18] =	ssyncset.done $0x0  }
0x1a8: {  	s31 =	rddreg [dreg:$0x9];
	[sflag:s18] =	ssyncadd.s32 $0xFFFFC000  }
0x1a9: {  	[hbm4b:s31+s2] =	stream.linear.scatter [tilespmem:s13], [sflag:$0xB], $0x4000, $0x38;
	[tilespmem:$0x18400] =	vst v63  }
0x1aa: {  	s1 =	rddreg [dreg:$0xa]  }
0x1ab: {  	[hbm4b:s1+s2] =	stream.linear.scatter [tilespmem:s14], [sflag:$0xC], $0x4000, $0x38;
	[tilespmem:$0x18400] =	vst v63  }
0x1ac: {  	_ =	swait.ge [sflag:s6], $0x4000  }
0x1ad: {  	[sflag:s6] =	ssyncset.done $0x0  }
0x1ae: {  	[sflag:s6] =	ssyncadd.s32 $0xFFFFC000  }
0x1af: {  	_ =	swait.ge [sflag:s11], $0x4000  }
0x1b0: {  	[sflag:s11] =	ssyncset.done $0x0  }
0x1b1: {  	s1 =	simm.s32 $0x1C0;
	[sflag:s11] =	ssyncadd.s32 $0xFFFFC000  }
0x1b2: {  	[tilespmem:s13], [sflag:$0x5] =	stream.indirect.gather [hbm4b:s3+s24], $0x80, s1, s24, $0xb8;
	[tilespmem:$0x18400] =	vst v63  }
0x1b3: {  	_ = 	snop  }
0x1b4: {  	[tilespmem:s14], [sflag:$0x6] =	stream.indirect.gather [hbm4b:s4+s24], $0x80, s1, s24, $0xb8;
	[tilespmem:$0x18400] =	vst v63  }
0x1b5: {  	_ =	swait.ge [sflag:s19], $0x4000  }
0x1b6: {  	[sflag:s19] =	ssyncset.done $0x0  }
0x1b7: {  	[sflag:s19] =	ssyncadd.s32 $0xFFFFC000  }
0x1b8: {  	_ =	swait.ge [sflag:s17], $0x4000  }
0x1b9: {  	[sflag:s17] =	ssyncset.done $0x0  }
0x1ba: {  	s25 =	rddreg [dreg:$0xb];
	[sflag:s17] =	ssyncadd.s32 $0xFFFFC000  }
0x1bb: {  	[hbm4b:s25+s2] =	stream.linear.scatter [tilespmem:s8], [sflag:$0xD], $0x4000, $0x38;
	[tilespmem:$0x18400] =	vst v63  }
0x1bc: {  	s26 =	rddreg [dreg:$0xc]  }
0x1bd: {  	[hbm4b:s26+s2] =	stream.linear.scatter [tilespmem:s9], [sflag:$0xE], $0x4000, $0x38;
	[tilespmem:$0x18400] =	vst v63  }
0x1be: {  	_ =	swait.ge [sflag:s12], $0x4000  }
0x1bf: {  	[sflag:s12] =	ssyncset.done $0x0  }
0x1c0: {  	[sflag:s12] =	ssyncadd.s32 $0xFFFFC000  }
0x1c1: {  	_ =	swait.ge [sflag:s7], $0x4000  }
0x1c2: {  	[sflag:s7] =	ssyncset.done $0x0  }
0x1c3: {  	s28 =	simm.s32 $0x240;
	[sflag:s7] =	ssyncadd.s32 $0xFFFFC000  }
0x1c4: {  	[tilespmem:s8], [sflag:$0x7] =	stream.indirect.gather [hbm4b:s3+s24], $0x80, s28, s24, $0xb8;
	[tilespmem:$0x18400] =	vst v63  }
0x1c5: {  	_ = 	snop  }
0x1c6: {  	[tilespmem:s9], [sflag:$0x8] =	stream.indirect.gather [hbm4b:s4+s24], $0x80, s28, s24, $0xb8;
	[tilespmem:$0x18400] =	vst v63  }
0x1c7: {  	_ =	swait.ge [sflag:s23], $0x4000  }
0x1c8: {  	[sflag:s23] =	ssyncset.done $0x0  }
0x1c9: {  	[sflag:s23] =	ssyncadd.s32 $0xFFFFC000  }
0x1ca: {  	_ =	swait.ge [sflag:s22], $0x4000  }
0x1cb: {  	[sflag:s22] =	ssyncset.done $0x0  }
0x1cc: {  	s29 =	rddreg [dreg:$0xd];
	[sflag:s22] =	ssyncadd.s32 $0xFFFFC000  }
0x1cd: {  	[hbm4b:s29+s2] =	stream.linear.scatter [tilespmem:s15], [sflag:$0x9], $0x4000, $0x38;
	[tilespmem:$0x18400] =	vst v63  }
0x1ce: {  	s31 =	rddreg [dreg:$0xe]  }
0x1cf: {  	[hbm4b:s31+s2] =	stream.linear.scatter [tilespmem:s16], [sflag:$0xA], $0x4000, $0x38;
	[tilespmem:$0x18400] =	vst v63  }
0x1d0: {  	_ =	swait.ge [sflag:s10], $0x4000  }
0x1d1: {  	[sflag:s10] =	ssyncset.done $0x0  }
0x1d2: {  	[sflag:s10] =	ssyncadd.s32 $0xFFFFC000  }
0x1d3: {  	_ =	swait.ge [sflag:s5], $0x4000  }
0x1d4: {  	[sflag:s5] =	ssyncset.done $0x0  }
0x1d5: {  	s1 =	simm.s32 $0x2C0;
	[sflag:s5] =	ssyncadd.s32 $0xFFFFC000  }
0x1d6: {  	[tilespmem:s15], [sflag:$0x3] =	stream.indirect.gather [hbm4b:s3+s24], $0x80, s1, s24, $0xb8;
	[tilespmem:$0x18400] =	vst v63  }
0x1d7: {  	_ = 	snop  }
0x1d8: {  	[tilespmem:s16], [sflag:$0x4] =	stream.indirect.gather [hbm4b:s4+s24], $0x80, s1, s24, $0xb8;
	[tilespmem:$0x18400] =	vst v63  }
0x1d9: {  	_ =	swait.ge [sflag:s21], $0x4000  }
0x1da: {  	[sflag:s21] =	ssyncset.done $0x0  }
0x1db: {  	[sflag:s21] =	ssyncadd.s32 $0xFFFFC000  }
0x1dc: {  	_ =	swait.ge [sflag:s18], $0x4000  }
0x1dd: {  	[sflag:s18] =	ssyncset.done $0x0  }
0x1de: {  	s25 =	rddreg [dreg:$0xf];
	[sflag:s18] =	ssyncadd.s32 $0xFFFFC000  }
0x1df: {  	[hbm4b:s25+s2] =	stream.linear.scatter [tilespmem:s13], [sflag:$0xB], $0x4000, $0x38;
	[tilespmem:$0x18400] =	vst v63  }
0x1e0: {  	s26 =	rddreg [dreg:$0x10]  }
0x1e1: {  	[hbm4b:s26+s2] =	stream.linear.scatter [tilespmem:s14], [sflag:$0xC], $0x4000, $0x38;
	[tilespmem:$0x18400] =	vst v63  }
0x1e2: {  	_ =	swait.ge [sflag:s6], $0x4000  }
0x1e3: {  	[sflag:s6] =	ssyncset.done $0x0  }
0x1e4: {  	[sflag:s6] =	ssyncadd.s32 $0xFFFFC000  }
0x1e5: {  	_ =	swait.ge [sflag:s11], $0x4000  }
0x1e6: {  	[sflag:s11] =	ssyncset.done $0x0  }
0x1e7: {  	s28 =	simm.s32 $0x340;
	[sflag:s11] =	ssyncadd.s32 $0xFFFFC000  }
0x1e8: {  	[tilespmem:s13], [sflag:$0x5] =	stream.indirect.gather [hbm4b:s3+s24], $0x80, s28, s24, $0xb8;
	[tilespmem:$0x18400] =	vst v63  }
0x1e9: {  	_ = 	snop  }
0x1ea: {  	[tilespmem:s14], [sflag:$0x6] =	stream.indirect.gather [hbm4b:s4+s24], $0x80, s28, s24, $0xb8;
	[tilespmem:$0x18400] =	vst v63  }
0x1eb: {  	_ =	swait.ge [sflag:s19], $0x4000  }
0x1ec: {  	[sflag:s19] =	ssyncset.done $0x0  }
0x1ed: {  	[sflag:s19] =	ssyncadd.s32 $0xFFFFC000  }
0x1ee: {  	_ =	swait.ge [sflag:s17], $0x4000  }
0x1ef: {  	[sflag:s17] =	ssyncset.done $0x0  }
0x1f0: {  	s29 =	rddreg [dreg:$0x11];
	[sflag:s17] =	ssyncadd.s32 $0xFFFFC000  }
0x1f1: {  	[hbm4b:s29+s2] =	stream.linear.scatter [tilespmem:s8], [sflag:$0xD], $0x4000, $0x38;
	[tilespmem:$0x18400] =	vst v63  }
0x1f2: {  	s31 =	rddreg [dreg:$0x12]  }
0x1f3: {  	[hbm4b:s31+s2] =	stream.linear.scatter [tilespmem:s9], [sflag:$0xE], $0x4000, $0x38;
	[tilespmem:$0x18400] =	vst v63  }
0x1f4: {  	_ =	swait.ge [sflag:s12], $0x4000  }
0x1f5: {  	[sflag:s12] =	ssyncset.done $0x0  }
0x1f6: {  	[sflag:s12] =	ssyncadd.s32 $0xFFFFC000  }
0x1f7: {  	_ =	swait.ge [sflag:s7], $0x4000  }
0x1f8: {  	[sflag:s7] =	ssyncset.done $0x0  }
0x1f9: {  	s1 =	simm.s32 $0x3C0;
	[sflag:s7] =	ssyncadd.s32 $0xFFFFC000  }
0x1fa: {  	[tilespmem:s8], [sflag:$0x7] =	stream.indirect.gather [hbm4b:s3+s20], $0x80, s1, s20, $0xb8;
	[tilespmem:$0x18400] =	vst v63  }
0x1fb: {  	_ = 	snop  }
0x1fc: {  	[tilespmem:s9], [sflag:$0x8] =	stream.indirect.gather [hbm4b:s4+s20], $0x80, s1, s20, $0xb8;
	[tilespmem:$0x18400] =	vst v63  }
0x1fd: {  	_ =	swait.ge [sflag:s23], $0x4000  }
0x1fe: {  	[sflag:s23] =	ssyncset.done $0x0  }
0x1ff: {  	[sflag:s23] =	ssyncadd.s32 $0xFFFFC000  }
0x200: {  	_ =	swait.ge [sflag:s22], $0x4000  }
0x201: {  	[sflag:s22] =	ssyncset.done $0x0  }
0x202: {  	s24 =	rddreg [dreg:$0x13];
	[sflag:s22] =	ssyncadd.s32 $0xFFFFC000  }
0x203: {  	[hbm4b:s24+s2] =	stream.linear.scatter [tilespmem:s15], [sflag:$0x9], $0x4000, $0x38;
	[tilespmem:$0x18400] =	vst v63  }
0x204: {  	s25 =	rddreg [dreg:$0x14]  }
0x205: {  	[hbm4b:s25+s2] =	stream.linear.scatter [tilespmem:s16], [sflag:$0xA], $0x4000, $0x38;
	[tilespmem:$0x18400] =	vst v63  }
0x206: {  	_ =	swait.ge [sflag:s21], $0x4000  }
0x207: {  	[sflag:s21] =	ssyncset.done $0x0  }
0x208: {  	[sflag:s21] =	ssyncadd.s32 $0xFFFFC000  }
0x209: {  	_ =	swait.ge [sflag:s18], $0x4000  }
0x20a: {  	[sflag:s18] =	ssyncset.done $0x0  }
0x20b: {  	s26 =	rddreg [dreg:$0x15];
	[sflag:s18] =	ssyncadd.s32 $0xFFFFC000  }
0x20c: {  	[hbm4b:s26+s2] =	stream.linear.scatter [tilespmem:s13], [sflag:$0xB], $0x4000, $0x38;
	[tilespmem:$0x18400] =	vst v63  }
0x20d: {  	s28 =	rddreg [dreg:$0x16]  }
0x20e: {  	[hbm4b:s28+s2] =	stream.linear.scatter [tilespmem:s14], [sflag:$0xC], $0x4000, $0x38;
	[tilespmem:$0x18400] =	vst v63  }
0x20f: {  	_ =	swait.ge [sflag:s19], $0x2000  }
0x210: {  	[sflag:s19] =	ssyncset.done $0x0  }
0x211: {  	[sflag:s19] =	ssyncadd.s32 $0xFFFFE000  }
0x212: {  	_ =	swait.ge [sflag:s17], $0x2000  }
0x213: {  	[sflag:s17] =	ssyncset.done $0x0  }
0x214: {  	s29 =	rddreg [dreg:$0x17];
	[sflag:s17] =	ssyncadd.s32 $0xFFFFE000  }
0x215: {  	[hbm4b:s29+s2] =	stream.linear.scatter [tilespmem:s8], [sflag:$0xD], $0x2000, $0x38;
	[tilespmem:$0x18400] =	vst v63  }
0x216: {  	s31 =	rddreg [dreg:$0x18]  }
0x217: {  	[hbm4b:s31+s2] =	stream.linear.scatter [tilespmem:s9], [sflag:$0xE], $0x2000, $0x38;
	[tilespmem:$0x18400] =	vst v63  }
0x218: {  	_ =	swait.ge [sflag:s10], $0x4000  }
0x219: {  	[sflag:s10] =	ssyncset.done $0x0  }
0x21a: {  	[sflag:s10] =	ssyncadd.s32 $0xFFFFC000  }
0x21b: {  	_ =	swait.ge [sflag:s5], $0x4000  }
0x21c: {  	[sflag:s5] =	ssyncset.done $0x0  }
0x21d: {  	[sflag:s5] =	ssyncadd.s32 $0xFFFFC000  }
0x21e: {  	_ =	swait.ge [sflag:s6], $0x4000  }
0x21f: {  	[sflag:s6] =	ssyncset.done $0x0  }
0x220: {  	[sflag:s6] =	ssyncadd.s32 $0xFFFFC000  }
0x221: {  	_ =	swait.ge [sflag:s11], $0x4000  }
0x222: {  	[sflag:s11] =	ssyncset.done $0x0  }
0x223: {  	[sflag:s11] =	ssyncadd.s32 $0xFFFFC000  }
0x224: {  	_ =	swait.ge [sflag:s12], $0x2000  }
0x225: {  	[sflag:s12] =	ssyncset.done $0x0  }
0x226: {  	[sflag:s12] =	ssyncadd.s32 $0xFFFFE000  }
0x227: {  	_ =	swait.ge [sflag:s7], $0x2000  }
0x228: {  	[sflag:s7] =	ssyncset.done $0x0  }
0x229: {  	[sflag:s7] =	ssyncadd.s32 $0xFFFFE000  }
0x22a: {  	_ =	sfence.sel $0x180000  }
0x22b: {  	[bflag:$0x0] =	sbarrier.arrive $0xFFFF  }
0x22c: {  	_ =	strace $0x90000047  }
0x22d: {  	[bflag:$0x2] =	sbarrier.arrive $0xFFFF  }
0x22e: {  	p0 =	sne.s32 s30, $0x0;
	s0 =	rddreg [dreg:$0x5]  }
0x22f: {  	s0 =	sadd.s32 @!p0 $0x100000, s0  }
0x230: {  	[sflag:s0] =	ssyncadd.tile.s32 @!p0 $0x1;
	_ =	shalt  }
.LBB2_1:
.Ltmp3:
0x231: {  	(pc) =	sbr.rel .LBB2_6-.Ltmp3, $2  }
0x232: {  	_ =	sdelay $0x2  }
0x233: {  	s0 =	rddreg [dreg:$0x1a]  }
.LBB2_3:
.Ltmp4:
0x234: {  	(pc) =	sbr.rel .LBB2_6-.Ltmp4, $2  }
0x235: {  	_ =	sdelay $0x2  }
0x236: {  	s0 =	rddreg [dreg:$0x1a];
	s30 =	stileid.u32  }
.Lfunc_end2:
_tile_overlayer_lowered:
.L_overlay_start_2:
0x237: {  	(tag) =	ssettag $0x2  }
0x238: {  	s0 =	rddreg [dreg:$0x0];
	s2 =	stileid.u32  }
0x239: {  	s1 =	rddreg [dreg:$0x1];
	p0 =	sne.s32 s2, $0x0  }
0x23a: {  	s3 =	rddreg [dreg:$0x2];
	[bflag:$0x3] =	sbarrier.arrive $0xFFFF;
	s2 =	simm.s32 @!p0 $0x1C0F  }
0x23b: {  	[timem:s3], [sflag:s2] =	dma.local @!p0 [hbm:s0], s1  }
0x23c: {  	s0 =	simm.s32 @!p0 $0xF  }
0x23d: {  	_ =	swait.ge @!p0 [sflag:s0], s1  }
0x23e: {  	s1 =	ssub.s32 @!p0 $0x0, s1;
	[sflag:s0] =	ssyncset.done @!p0 $0x0  }
0x23f: {  	[sflag:s0] =	ssyncadd.s32 @!p0 s1  }
0x240: {  	[bflag:$0x3] =	sbarrier.arrive $0xFFFF  }
0x241: {  	_ =	shalt  }

</sc_bundles>
